<compile_context>
chip_gen: v7x
topology: tpu7x:2x2x1
jax: 0.10.2.dev20260603
libtpu: 0.0.44.dev20260713+nightly
codegen_flags: <defaults>
</compile_context>

<pallas_src>
import functools

import jax
import jax.numpy as jnp
from jax import lax
from jax.experimental import pallas as pl
from jax.experimental.pallas import tpu as pltpu
from jax.experimental.pallas import tpu_sc as plsc

_NUM_CORES = 2
_NUM_SUBCORES = 16
_LANES = 16
_NUM_WORKERS = _NUM_CORES * _NUM_SUBCORES
_CHUNK = 40
_NBUF = 4


def _sc_gather(x_pad, table, B, TP):
    (N,) = x_pad.shape
    V, D = table.shape
    BW = B // _NUM_WORKERS
    RP = BW * TP
    CPB = TP // _CHUNK
    NCH = BW * CPB

    mesh = plsc.VectorSubcoreMesh(core_axis_name="c", subcore_axis_name="s")

    @functools.partial(
        pl.kernel,
        out_type=jax.ShapeDtypeStruct((B, TP, D), jnp.float32),
        mesh=mesh,
        compiler_params=pltpu.CompilerParams(use_tc_tiling_on_sc=True),
        scratch_types=[
            pltpu.VMEM((RP,), jnp.int32),
            pltpu.VMEM((_CHUNK, D), jnp.float32),
            pltpu.VMEM((_CHUNK, D), jnp.float32),
            pltpu.VMEM((_CHUNK, D), jnp.float32),
            pltpu.VMEM((_CHUNK, D), jnp.float32),
            pltpu.SemaphoreType.DMA,
            pltpu.SemaphoreType.DMA,
            pltpu.SemaphoreType.DMA,
            pltpu.SemaphoreType.DMA,
            pltpu.SemaphoreType.DMA,
            pltpu.SemaphoreType.DMA,
            pltpu.SemaphoreType.DMA,
            pltpu.SemaphoreType.DMA,
        ],
    )
    def k(x_hbm, tab_hbm, out_hbm, idx_v,
          lin0, lin1, lin2, lin3, g0, g1, g2, g3, s0, s1, s2, s3):
        wid = lax.axis_index("s") * _NUM_CORES + lax.axis_index("c")
        b0 = wid * BW
        lins = [lin0, lin1, lin2, lin3]
        gsems = [g0, g1, g2, g3]
        ssems = [s0, s1, s2, s3]

        pltpu.sync_copy(x_hbm.at[pl.ds(wid * RP, RP)], idx_v)

        def start_gather(c, slot):
            pltpu.async_copy(
                tab_hbm.at[idx_v.at[pl.ds(c * _CHUNK, _CHUNK)]],
                lins[slot], gsems[slot],
            )

        def wait_gather(slot):
            pltpu.make_async_copy(
                tab_hbm.at[idx_v.at[pl.ds(0, _CHUNK)]],
                lins[slot], gsems[slot],
            ).wait()

        def out_ref(c):
            bb = c // CPB
            piece = lax.rem(c, CPB)
            return out_hbm.at[b0 + bb, pl.ds(piece * _CHUNK, _CHUNK)]

        def start_store(c, slot):
            pltpu.async_copy(lins[slot], out_ref(c), ssems[slot])

        def wait_store(c, slot):
            pltpu.make_async_copy(lins[slot], out_ref(c), ssems[slot]).wait()

        for slot in range(_NBUF):
            start_gather(slot, slot)

        def pair_body(p, carry):
            for slot in range(_NBUF):
                c = p * _NBUF + slot
                wait_gather(slot)
                start_store(c, slot)
                wait_store(c, slot)

                @pl.when(c + _NBUF < NCH)
                def _():
                    start_gather(c + _NBUF, slot)

            return carry

        lax.fori_loop(0, NCH // _NBUF, pair_body, 0)

    return k(x_pad, table)


def _tc_add_pos(raw, pos_pad, B, T):
    _, TP, D = raw.shape
    BB = 16

    def body(raw_ref, pos_ref, out_ref):
        p = pos_ref[:T, :]
        out_ref[...] = raw_ref[:, :T, :] + p[None, :, :]

    return pl.pallas_call(
        body,
        grid=(B // BB,),
        in_specs=[
            pl.BlockSpec((BB, TP, D), lambda b: (b, 0, 0)),
            pl.BlockSpec((TP, D), lambda b: (0, 0)),
        ],
        out_specs=pl.BlockSpec((BB, T, D), lambda b: (b, 0, 0)),
        out_shape=jax.ShapeDtypeStruct((B, T, D), jnp.float32),
    )(raw, pos_pad)


def kernel(x, token_embedding, position_embedding):
    B, T = x.shape
    TP = ((T + _LANES - 1) // _LANES) * _LANES
    x_pad = jnp.pad(x.astype(jnp.int32), ((0, 0), (0, TP - T)))
    pos_pad = jnp.pad(position_embedding, ((0, TP - T), (0, 0)))
    raw = _sc_gather(x_pad.reshape(-1), token_embedding, B, TP)
    return _tc_add_pos(raw, pos_pad, B, T)

# --- scband reference (transcript-rebuilt; emitter-appended) ---
"""Pipeline reference for scband-clipembedding-31473520345144 (READ-ONLY COPY).

The authoritative reference and input builder live on the scoring server;
editing this copy changes nothing except your own understanding.
"""

import jax, jax.numpy as jnp
import numpy as np

N_VOCAB = 49408
N_EMBD = 768
N_TOKENS = 77
BATCH = 1024


def setup_inputs(seed: int = 0) -> dict:
    key = jax.random.key(seed)
    k_x, k_tab, k_pos = jax.random.split(key, 3)
    x = jax.random.randint(k_x, (BATCH, N_TOKENS), 0, N_VOCAB, dtype=jnp.int64 if jax.config.jax_enable_x64 else jnp.int32)
    token_embedding = jax.random.normal(k_tab, (N_VOCAB, N_EMBD), dtype=jnp.float32) * 0.02
    position_embedding = jax.random.normal(k_pos, (N_TOKENS, N_EMBD), dtype=jnp.float32) * 0.01
    return {"x": x, "token_embedding": token_embedding, "position_embedding": position_embedding}


def reference(x, token_embedding, position_embedding):
    # token embedding lookup: gather rows of the table
    emb = jnp.take(token_embedding, x, axis=0)  # [B, T, D]
    # add learned positional embedding (broadcast over batch)
    out = emb + position_embedding[None, :, :]
    return out

if __name__ == "__main__":
    import jax
    _d = setup_inputs()
    print(jax.jit(kernel)(*tuple(_d.values())))

</pallas_src>

<mosaic_0001>
#map = affine_map<(d0, d1) -> (0)>
#map1 = affine_map<(d0, d1) -> (0, 0)>
#map2 = affine_map<(d0, d1) -> (0, 0, 0)>
module attributes {stable_mosaic.version = 14 : i64} {
  func.func @k(%arg0: i32, %arg1: i32, %arg2: memref<81920xi32, #tpu.memory_space<hbm>>, %arg3: memref<49408x768xf32, #tpu.memory_space<hbm>>, %arg4: memref<1024x80x768xf32, #tpu.memory_space<hbm>>, %arg5: memref<2560xi32, #tpu.memory_space<vmem>>, %arg6: memref<40x768xf32, #tpu.memory_space<vmem>>, %arg7: memref<40x768xf32, #tpu.memory_space<vmem>>, %arg8: memref<40x768xf32, #tpu.memory_space<vmem>>, %arg9: memref<40x768xf32, #tpu.memory_space<vmem>>, %arg10: memref<!tpu.dma_semaphore, #tpu.memory_space<semaphore_mem>>, %arg11: memref<!tpu.dma_semaphore, #tpu.memory_space<semaphore_mem>>, %arg12: memref<!tpu.dma_semaphore, #tpu.memory_space<semaphore_mem>>, %arg13: memref<!tpu.dma_semaphore, #tpu.memory_space<semaphore_mem>>, %arg14: memref<!tpu.dma_semaphore, #tpu.memory_space<semaphore_mem>>, %arg15: memref<!tpu.dma_semaphore, #tpu.memory_space<semaphore_mem>>, %arg16: memref<!tpu.dma_semaphore, #tpu.memory_space<semaphore_mem>>, %arg17: memref<!tpu.dma_semaphore, #tpu.memory_space<semaphore_mem>>) attributes {dimension_semantics = [#tpu.dimension_semantics<core_parallel>, #tpu.dimension_semantics<subcore_parallel>], iteration_bounds = array<i64: 2, 16>, scalar_prefetch = 0 : i64, scratch_operands = 13 : i64, tpu.core_type = #tpu.core_type<sc_vector_subcore>, window_params = [{transform_indices = #map}, {transform_indices = #map1}, {transform_indices = #map2}]} {
    %mul3A = arith.constant 2 : i32
    %mul3A_0 = arith.muli %arg1, %mul3A : i32
    %add3A = arith.addi %mul3A_0, %arg0 : i32
    %mul3A_1 = arith.constant 32 : i32
    %mul3A_2 = arith.muli %add3A, %mul3A_1 : i32
    %mul3A_3 = arith.constant 2560 : i32
    %mul3A_4 = arith.muli %add3A, %mul3A_3 : i32
    "tpu.region"() ({
      %run_scoped3A = tpu.sem_alloc : memref<!tpu.dma_semaphore, #tpu.memory_space<semaphore_mem>>
      %dma_start3A_29 = tpu.memref_slice %arg2[%mul3A_4] : memref<81920xi32, #tpu.memory_space<hbm>> -> memref<2560xi32, #tpu.memory_space<hbm>>
      %dma_start3A_30 = tpu.memref_slice %arg2[%mul3A_4] : memref<81920xi32, #tpu.memory_space<hbm>> -> memref<2560xi32, #tpu.memory_space<hbm>>
      tpu.enqueue_dma source(%dma_start3A_30 : memref<2560xi32, #tpu.memory_space<hbm>>) target(%arg5 : memref<2560xi32, #tpu.memory_space<vmem>>) target_semaphore(%run_scoped3A : memref<!tpu.dma_semaphore, #tpu.memory_space<semaphore_mem>>)
      %dma_wait3A = tpu.memref_slice %arg2[%mul3A_4] : memref<81920xi32, #tpu.memory_space<hbm>> -> memref<2560xi32, #tpu.memory_space<hbm>>
      %dma_wait3A_31 = tpu.memref_slice %arg2[%mul3A_4] : memref<81920xi32, #tpu.memory_space<hbm>> -> memref<2560xi32, #tpu.memory_space<hbm>>
      tpu.wait_dma2 semaphore(%run_scoped3A : memref<!tpu.dma_semaphore, #tpu.memory_space<semaphore_mem>>) src(%dma_wait3A_31 : memref<2560xi32, #tpu.memory_space<hbm>>) dst(%arg5 : memref<2560xi32, #tpu.memory_space<vmem>>)
      tpu.yield
    }) : () -> ()
    %dma_start3A = arith.constant 0 : i32
    %dma_start3A_5 = tpu.memref_slice %arg5[%dma_start3A] : memref<2560xi32, #tpu.memory_space<vmem>> -> memref<40xi32, #tpu.memory_space<vmem>>
    %dma_start3A_6 = arith.constant 0 : i32
    %dma_start3A_7 = arith.constant 0 : i32
    %dma_start3A_8 = tpu.memref_slice %arg3[%dma_start3A_6, %dma_start3A_7] : memref<49408x768xf32, #tpu.memory_space<hbm>> -> memref<49408x768xf32, #tpu.memory_space<hbm>>
    tpu.enqueue_indirect_dma source(%dma_start3A_8 : memref<49408x768xf32, #tpu.memory_space<hbm>>) target(%arg6 : memref<40x768xf32, #tpu.memory_space<vmem>>) offsets(%dma_start3A_5 : memref<40xi32, #tpu.memory_space<vmem>>) semaphore(%arg10 : memref<!tpu.dma_semaphore, #tpu.memory_space<semaphore_mem>>)
    %dma_start3A_9 = arith.constant 40 : i32
    %dma_start3A_10 = tpu.memref_slice %arg5[%dma_start3A_9] : memref<2560xi32, #tpu.memory_space<vmem>> -> memref<40xi32, #tpu.memory_space<vmem>>
    %dma_start3A_11 = arith.constant 0 : i32
    %dma_start3A_12 = arith.constant 0 : i32
    %dma_start3A_13 = tpu.memref_slice %arg3[%dma_start3A_11, %dma_start3A_12] : memref<49408x768xf32, #tpu.memory_space<hbm>> -> memref<49408x768xf32, #tpu.memory_space<hbm>>
    tpu.enqueue_indirect_dma source(%dma_start3A_13 : memref<49408x768xf32, #tpu.memory_space<hbm>>) target(%arg7 : memref<40x768xf32, #tpu.memory_space<vmem>>) offsets(%dma_start3A_10 : memref<40xi32, #tpu.memory_space<vmem>>) semaphore(%arg11 : memref<!tpu.dma_semaphore, #tpu.memory_space<semaphore_mem>>)
    %dma_start3A_14 = arith.constant 80 : i32
    %dma_start3A_15 = tpu.memref_slice %arg5[%dma_start3A_14] : memref<2560xi32, #tpu.memory_space<vmem>> -> memref<40xi32, #tpu.memory_space<vmem>>
    %dma_start3A_16 = arith.constant 0 : i32
    %dma_start3A_17 = arith.constant 0 : i32
    %dma_start3A_18 = tpu.memref_slice %arg3[%dma_start3A_16, %dma_start3A_17] : memref<49408x768xf32, #tpu.memory_space<hbm>> -> memref<49408x768xf32, #tpu.memory_space<hbm>>
    tpu.enqueue_indirect_dma source(%dma_start3A_18 : memref<49408x768xf32, #tpu.memory_space<hbm>>) target(%arg8 : memref<40x768xf32, #tpu.memory_space<vmem>>) offsets(%dma_start3A_15 : memref<40xi32, #tpu.memory_space<vmem>>) semaphore(%arg12 : memref<!tpu.dma_semaphore, #tpu.memory_space<semaphore_mem>>)
    %dma_start3A_19 = arith.constant 120 : i32
    %dma_start3A_20 = tpu.memref_slice %arg5[%dma_start3A_19] : memref<2560xi32, #tpu.memory_space<vmem>> -> memref<40xi32, #tpu.memory_space<vmem>>
    %dma_start3A_21 = arith.constant 0 : i32
    %dma_start3A_22 = arith.constant 0 : i32
    %dma_start3A_23 = tpu.memref_slice %arg3[%dma_start3A_21, %dma_start3A_22] : memref<49408x768xf32, #tpu.memory_space<hbm>> -> memref<49408x768xf32, #tpu.memory_space<hbm>>
    tpu.enqueue_indirect_dma source(%dma_start3A_23 : memref<49408x768xf32, #tpu.memory_space<hbm>>) target(%arg9 : memref<40x768xf32, #tpu.memory_space<vmem>>) offsets(%dma_start3A_20 : memref<40xi32, #tpu.memory_space<vmem>>) semaphore(%arg13 : memref<!tpu.dma_semaphore, #tpu.memory_space<semaphore_mem>>)
    %scan3A = arith.constant 0 : i32
    %scan3A_24 = arith.constant 0 : i32
    %scan3A_25 = arith.constant 16 : i32
    %scan3A_26 = arith.addi %scan3A_24, %scan3A_25 : i32
    %scan3A_27 = arith.constant 1 : i32
    scf.for %scan3A_29 = %scan3A_24 to %scan3A_26 step %scan3A_27  : i32 {
      %mul3A_30 = arith.constant 4 : i32
      %mul3A_31 = arith.muli %scan3A_29, %mul3A_30 : i32
      %add3A_32 = arith.constant 0 : i32
      %add3A_33 = arith.addi %mul3A_31, %add3A_32 : i32
      %dma_wait3A = arith.constant 0 : i32
      %dma_wait3A_34 = tpu.memref_slice %arg5[%dma_wait3A] : memref<2560xi32, #tpu.memory_space<vmem>> -> memref<40xi32, #tpu.memory_space<vmem>>
      %dma_wait3A_35 = arith.constant 0 : i32
      %dma_wait3A_36 = arith.constant 0 : i32
      %dma_wait3A_37 = tpu.memref_slice %arg3[%dma_wait3A_35, %dma_wait3A_36] : memref<49408x768xf32, #tpu.memory_space<hbm>> -> memref<49408x768xf32, #tpu.memory_space<hbm>>
      tpu.wait_indirect_dma semaphore(%arg10 : memref<!tpu.dma_semaphore, #tpu.memory_space<semaphore_mem>>) src(%dma_wait3A_37 : memref<49408x768xf32, #tpu.memory_space<hbm>>) dst(%arg6 : memref<40x768xf32, #tpu.memory_space<vmem>>)
      %jit3A = arith.constant 2 : i32
      %div3A = arith.divsi %add3A_33, %jit3A : i32
      %sign3A = arith.constant 0 : i32
      %sign3A_38 = arith.cmpi sgt, %add3A_33, %sign3A : i32
      %sign3A_39 = arith.extui %sign3A_38 : i1 to i32
      %sign3A_40 = arith.constant 0 : i32
      %sign3A_41 = arith.cmpi slt, %add3A_33, %sign3A_40 : i32
      %sign3A_42 = arith.extui %sign3A_41 : i1 to i32
      %sign3A_43 = arith.subi %sign3A_39, %sign3A_42 : i32
      %sign3A_44 = arith.constant 0 : i32
      %sign3A_45 = arith.cmpi sgt, %jit3A, %sign3A_44 : i32
      %sign3A_46 = arith.extui %sign3A_45 : i1 to i32
      %sign3A_47 = arith.constant 0 : i32
      %sign3A_48 = arith.cmpi slt, %jit3A, %sign3A_47 : i32
      %sign3A_49 = arith.extui %sign3A_48 : i1 to i32
      %sign3A_50 = arith.subi %sign3A_46, %sign3A_49 : i32
      %ne3A = arith.cmpi ne, %sign3A_43, %sign3A_50 : i32
      %rem3A = arith.remsi %add3A_33, %jit3A : i32
      %ne3A_51 = arith.constant 0 : i32
      %ne3A_52 = arith.cmpi ne, %rem3A, %ne3A_51 : i32
      %and3A = arith.andi %ne3A, %ne3A_52 : i1
      %sub3A = arith.constant 1 : i32
      %sub3A_53 = arith.subi %div3A, %sub3A : i32
      %select_n3A = arith.select %and3A, %sub3A_53, %div3A : i32
      %rem3A_54 = arith.constant 2 : i32
      %rem3A_55 = arith.remsi %add3A_33, %rem3A_54 : i32
      %add3A_56 = arith.addi %mul3A_2, %select_n3A : i32
      %mul3A_57 = arith.constant 40 : i32
      %mul3A_58 = arith.muli %rem3A_55, %mul3A_57 : i32
      %dma_start3A_59 = arith.constant 0 : i32
      %dma_start3A_60 = tpu.memref_slice %arg4[%add3A_56, %mul3A_58, %dma_start3A_59] : memref<1024x80x768xf32, #tpu.memory_space<hbm>> -> memref<1x40x768xf32, #tpu.memory_space<hbm>>
      %dma_start3A_61 = tpu.memref_squeeze %dma_start3A_60 : memref<1x40x768xf32, #tpu.memory_space<hbm>> -> memref<40x768xf32, #tpu.memory_space<hbm>>
      %dma_start3A_62 = arith.constant 0 : i32
      %dma_start3A_63 = tpu.memref_slice %arg4[%add3A_56, %mul3A_58, %dma_start3A_62] : memref<1024x80x768xf32, #tpu.memory_space<hbm>> -> memref<1x40x768xf32, #tpu.memory_space<hbm>>
      %dma_start3A_64 = tpu.memref_squeeze %dma_start3A_63 : memref<1x40x768xf32, #tpu.memory_space<hbm>> -> memref<40x768xf32, #tpu.memory_space<hbm>>
      tpu.enqueue_dma source(%arg6 : memref<40x768xf32, #tpu.memory_space<vmem>>) target(%dma_start3A_64 : memref<40x768xf32, #tpu.memory_space<hbm>>) target_semaphore(%arg14 : memref<!tpu.dma_semaphore, #tpu.memory_space<semaphore_mem>>)
      %jit3A_65 = arith.constant 2 : i32
      %div3A_66 = arith.divsi %add3A_33, %jit3A_65 : i32
      %sign3A_67 = arith.constant 0 : i32
      %sign3A_68 = arith.cmpi sgt, %add3A_33, %sign3A_67 : i32
      %sign3A_69 = arith.extui %sign3A_68 : i1 to i32
      %sign3A_70 = arith.constant 0 : i32
      %sign3A_71 = arith.cmpi slt, %add3A_33, %sign3A_70 : i32
      %sign3A_72 = arith.extui %sign3A_71 : i1 to i32
      %sign3A_73 = arith.subi %sign3A_69, %sign3A_72 : i32
      %sign3A_74 = arith.constant 0 : i32
      %sign3A_75 = arith.cmpi sgt, %jit3A_65, %sign3A_74 : i32
      %sign3A_76 = arith.extui %sign3A_75 : i1 to i32
      %sign3A_77 = arith.constant 0 : i32
      %sign3A_78 = arith.cmpi slt, %jit3A_65, %sign3A_77 : i32
      %sign3A_79 = arith.extui %sign3A_78 : i1 to i32
      %sign3A_80 = arith.subi %sign3A_76, %sign3A_79 : i32
      %ne3A_81 = arith.cmpi ne, %sign3A_73, %sign3A_80 : i32
      %rem3A_82 = arith.remsi %add3A_33, %jit3A_65 : i32
      %ne3A_83 = arith.constant 0 : i32
      %ne3A_84 = arith.cmpi ne, %rem3A_82, %ne3A_83 : i32
      %and3A_85 = arith.andi %ne3A_81, %ne3A_84 : i1
      %sub3A_86 = arith.constant 1 : i32
      %sub3A_87 = arith.subi %div3A_66, %sub3A_86 : i32
      %select_n3A_88 = arith.select %and3A_85, %sub3A_87, %div3A_66 : i32
      %rem3A_89 = arith.constant 2 : i32
      %rem3A_90 = arith.remsi %add3A_33, %rem3A_89 : i32
      %add3A_91 = arith.addi %mul3A_2, %select_n3A_88 : i32
      %mul3A_92 = arith.constant 40 : i32
      %mul3A_93 = arith.muli %rem3A_90, %mul3A_92 : i32
      %dma_wait3A_94 = arith.constant 0 : i32
      %dma_wait3A_95 = tpu.memref_slice %arg4[%add3A_91, %mul3A_93, %dma_wait3A_94] : memref<1024x80x768xf32, #tpu.memory_space<hbm>> -> memref<1x40x768xf32, #tpu.memory_space<hbm>>
      %dma_wait3A_96 = tpu.memref_squeeze %dma_wait3A_95 : memref<1x40x768xf32, #tpu.memory_space<hbm>> -> memref<40x768xf32, #tpu.memory_space<hbm>>
      %dma_wait3A_97 = arith.constant 0 : i32
      %dma_wait3A_98 = tpu.memref_slice %arg4[%add3A_91, %mul3A_93, %dma_wait3A_97] : memref<1024x80x768xf32, #tpu.memory_space<hbm>> -> memref<1x40x768xf32, #tpu.memory_space<hbm>>
      %dma_wait3A_99 = tpu.memref_squeeze %dma_wait3A_98 : memref<1x40x768xf32, #tpu.memory_space<hbm>> -> memref<40x768xf32, #tpu.memory_space<hbm>>
      tpu.wait_dma2 semaphore(%arg14 : memref<!tpu.dma_semaphore, #tpu.memory_space<semaphore_mem>>) src(%arg6 : memref<40x768xf32, #tpu.memory_space<vmem>>) dst(%dma_wait3A_99 : memref<40x768xf32, #tpu.memory_space<hbm>>)
      %add3A_100 = arith.constant 4 : i32
      %add3A_101 = arith.addi %add3A_33, %add3A_100 : i32
      %lt3A = arith.constant 64 : i32
      %lt3A_102 = arith.cmpi slt, %add3A_101, %lt3A : i32
      %convert_element_type3A = arith.extui %lt3A_102 : i1 to i32
      %cond3A = arith.constant 0 : i32
      %cond3A_103 = arith.cmpi ne, %convert_element_type3A, %cond3A : i32
      scf.if %cond3A_103 {
        %add3A_362 = arith.constant 4 : i32
        %add3A_363 = arith.addi %add3A_33, %add3A_362 : i32
        %mul3A_364 = arith.constant 40 : i32
        %mul3A_365 = arith.muli %add3A_363, %mul3A_364 : i32
        %dma_start3A_366 = tpu.memref_slice %arg5[%mul3A_365] : memref<2560xi32, #tpu.memory_space<vmem>> -> memref<40xi32, #tpu.memory_space<vmem>>
        %dma_start3A_367 = arith.constant 0 : i32
        %dma_start3A_368 = arith.constant 0 : i32
        %dma_start3A_369 = tpu.memref_slice %arg3[%dma_start3A_367, %dma_start3A_368] : memref<49408x768xf32, #tpu.memory_space<hbm>> -> memref<49408x768xf32, #tpu.memory_space<hbm>>
        tpu.enqueue_indirect_dma source(%dma_start3A_369 : memref<49408x768xf32, #tpu.memory_space<hbm>>) target(%arg6 : memref<40x768xf32, #tpu.memory_space<vmem>>) offsets(%dma_start3A_366 : memref<40xi32, #tpu.memory_space<vmem>>) semaphore(%arg10 : memref<!tpu.dma_semaphore, #tpu.memory_space<semaphore_mem>>)
      } else {
      }
      %mul3A_104 = arith.constant 4 : i32
      %mul3A_105 = arith.muli %scan3A_29, %mul3A_104 : i32
      %add3A_106 = arith.constant 1 : i32
      %add3A_107 = arith.addi %mul3A_105, %add3A_106 : i32
      %dma_wait3A_108 = arith.constant 0 : i32
      %dma_wait3A_109 = tpu.memref_slice %arg5[%dma_wait3A_108] : memref<2560xi32, #tpu.memory_space<vmem>> -> memref<40xi32, #tpu.memory_space<vmem>>
      %dma_wait3A_110 = arith.constant 0 : i32
      %dma_wait3A_111 = arith.constant 0 : i32
      %dma_wait3A_112 = tpu.memref_slice %arg3[%dma_wait3A_110, %dma_wait3A_111] : memref<49408x768xf32, #tpu.memory_space<hbm>> -> memref<49408x768xf32, #tpu.memory_space<hbm>>
      tpu.wait_indirect_dma semaphore(%arg11 : memref<!tpu.dma_semaphore, #tpu.memory_space<semaphore_mem>>) src(%dma_wait3A_112 : memref<49408x768xf32, #tpu.memory_space<hbm>>) dst(%arg7 : memref<40x768xf32, #tpu.memory_space<vmem>>)
      %jit3A_113 = arith.constant 2 : i32
      %div3A_114 = arith.divsi %add3A_107, %jit3A_113 : i32
      %sign3A_115 = arith.constant 0 : i32
      %sign3A_116 = arith.cmpi sgt, %add3A_107, %sign3A_115 : i32
      %sign3A_117 = arith.extui %sign3A_116 : i1 to i32
      %sign3A_118 = arith.constant 0 : i32
      %sign3A_119 = arith.cmpi slt, %add3A_107, %sign3A_118 : i32
      %sign3A_120 = arith.extui %sign3A_119 : i1 to i32
      %sign3A_121 = arith.subi %sign3A_117, %sign3A_120 : i32
      %sign3A_122 = arith.constant 0 : i32
      %sign3A_123 = arith.cmpi sgt, %jit3A_113, %sign3A_122 : i32
      %sign3A_124 = arith.extui %sign3A_123 : i1 to i32
      %sign3A_125 = arith.constant 0 : i32
      %sign3A_126 = arith.cmpi slt, %jit3A_113, %sign3A_125 : i32
      %sign3A_127 = arith.extui %sign3A_126 : i1 to i32
      %sign3A_128 = arith.subi %sign3A_124, %sign3A_127 : i32
      %ne3A_129 = arith.cmpi ne, %sign3A_121, %sign3A_128 : i32
      %rem3A_130 = arith.remsi %add3A_107, %jit3A_113 : i32
      %ne3A_131 = arith.constant 0 : i32
      %ne3A_132 = arith.cmpi ne, %rem3A_130, %ne3A_131 : i32
      %and3A_133 = arith.andi %ne3A_129, %ne3A_132 : i1
      %sub3A_134 = arith.constant 1 : i32
      %sub3A_135 = arith.subi %div3A_114, %sub3A_134 : i32
      %select_n3A_136 = arith.select %and3A_133, %sub3A_135, %div3A_114 : i32
      %rem3A_137 = arith.constant 2 : i32
      %rem3A_138 = arith.remsi %add3A_107, %rem3A_137 : i32
      %add3A_139 = arith.addi %mul3A_2, %select_n3A_136 : i32
      %mul3A_140 = arith.constant 40 : i32
      %mul3A_141 = arith.muli %rem3A_138, %mul3A_140 : i32
      %dma_start3A_142 = arith.constant 0 : i32
      %dma_start3A_143 = tpu.memref_slice %arg4[%add3A_139, %mul3A_141, %dma_start3A_142] : memref<1024x80x768xf32, #tpu.memory_space<hbm>> -> memref<1x40x768xf32, #tpu.memory_space<hbm>>
      %dma_start3A_144 = tpu.memref_squeeze %dma_start3A_143 : memref<1x40x768xf32, #tpu.memory_space<hbm>> -> memref<40x768xf32, #tpu.memory_space<hbm>>
      %dma_start3A_145 = arith.constant 0 : i32
      %dma_start3A_146 = tpu.memref_slice %arg4[%add3A_139, %mul3A_141, %dma_start3A_145] : memref<1024x80x768xf32, #tpu.memory_space<hbm>> -> memref<1x40x768xf32, #tpu.memory_space<hbm>>
      %dma_start3A_147 = tpu.memref_squeeze %dma_start3A_146 : memref<1x40x768xf32, #tpu.memory_space<hbm>> -> memref<40x768xf32, #tpu.memory_space<hbm>>
      tpu.enqueue_dma source(%arg7 : memref<40x768xf32, #tpu.memory_space<vmem>>) target(%dma_start3A_147 : memref<40x768xf32, #tpu.memory_space<hbm>>) target_semaphore(%arg15 : memref<!tpu.dma_semaphore, #tpu.memory_space<semaphore_mem>>)
      %jit3A_148 = arith.constant 2 : i32
      %div3A_149 = arith.divsi %add3A_107, %jit3A_148 : i32
      %sign3A_150 = arith.constant 0 : i32
      %sign3A_151 = arith.cmpi sgt, %add3A_107, %sign3A_150 : i32
      %sign3A_152 = arith.extui %sign3A_151 : i1 to i32
      %sign3A_153 = arith.constant 0 : i32
      %sign3A_154 = arith.cmpi slt, %add3A_107, %sign3A_153 : i32
      %sign3A_155 = arith.extui %sign3A_154 : i1 to i32
      %sign3A_156 = arith.subi %sign3A_152, %sign3A_155 : i32
      %sign3A_157 = arith.constant 0 : i32
      %sign3A_158 = arith.cmpi sgt, %jit3A_148, %sign3A_157 : i32
      %sign3A_159 = arith.extui %sign3A_158 : i1 to i32
      %sign3A_160 = arith.constant 0 : i32
      %sign3A_161 = arith.cmpi slt, %jit3A_148, %sign3A_160 : i32
      %sign3A_162 = arith.extui %sign3A_161 : i1 to i32
      %sign3A_163 = arith.subi %sign3A_159, %sign3A_162 : i32
      %ne3A_164 = arith.cmpi ne, %sign3A_156, %sign3A_163 : i32
      %rem3A_165 = arith.remsi %add3A_107, %jit3A_148 : i32
      %ne3A_166 = arith.constant 0 : i32
      %ne3A_167 = arith.cmpi ne, %rem3A_165, %ne3A_166 : i32
      %and3A_168 = arith.andi %ne3A_164, %ne3A_167 : i1
      %sub3A_169 = arith.constant 1 : i32
      %sub3A_170 = arith.subi %div3A_149, %sub3A_169 : i32
      %select_n3A_171 = arith.select %and3A_168, %sub3A_170, %div3A_149 : i32
      %rem3A_172 = arith.constant 2 : i32
      %rem3A_173 = arith.remsi %add3A_107, %rem3A_172 : i32
      %add3A_174 = arith.addi %mul3A_2, %select_n3A_171 : i32
      %mul3A_175 = arith.constant 40 : i32
      %mul3A_176 = arith.muli %rem3A_173, %mul3A_175 : i32
      %dma_wait3A_177 = arith.constant 0 : i32
      %dma_wait3A_178 = tpu.memref_slice %arg4[%add3A_174, %mul3A_176, %dma_wait3A_177] : memref<1024x80x768xf32, #tpu.memory_space<hbm>> -> memref<1x40x768xf32, #tpu.memory_space<hbm>>
      %dma_wait3A_179 = tpu.memref_squeeze %dma_wait3A_178 : memref<1x40x768xf32, #tpu.memory_space<hbm>> -> memref<40x768xf32, #tpu.memory_space<hbm>>
      %dma_wait3A_180 = arith.constant 0 : i32
      %dma_wait3A_181 = tpu.memref_slice %arg4[%add3A_174, %mul3A_176, %dma_wait3A_180] : memref<1024x80x768xf32, #tpu.memory_space<hbm>> -> memref<1x40x768xf32, #tpu.memory_space<hbm>>
      %dma_wait3A_182 = tpu.memref_squeeze %dma_wait3A_181 : memref<1x40x768xf32, #tpu.memory_space<hbm>> -> memref<40x768xf32, #tpu.memory_space<hbm>>
      tpu.wait_dma2 semaphore(%arg15 : memref<!tpu.dma_semaphore, #tpu.memory_space<semaphore_mem>>) src(%arg7 : memref<40x768xf32, #tpu.memory_space<vmem>>) dst(%dma_wait3A_182 : memref<40x768xf32, #tpu.memory_space<hbm>>)
      %add3A_183 = arith.constant 4 : i32
      %add3A_184 = arith.addi %add3A_107, %add3A_183 : i32
      %lt3A_185 = arith.constant 64 : i32
      %lt3A_186 = arith.cmpi slt, %add3A_184, %lt3A_185 : i32
      %convert_element_type3A_187 = arith.extui %lt3A_186 : i1 to i32
      %cond3A_188 = arith.constant 0 : i32
      %cond3A_189 = arith.cmpi ne, %convert_element_type3A_187, %cond3A_188 : i32
      scf.if %cond3A_189 {
        %add3A_362 = arith.constant 4 : i32
        %add3A_363 = arith.addi %add3A_107, %add3A_362 : i32
        %mul3A_364 = arith.constant 40 : i32
        %mul3A_365 = arith.muli %add3A_363, %mul3A_364 : i32
        %dma_start3A_366 = tpu.memref_slice %arg5[%mul3A_365] : memref<2560xi32, #tpu.memory_space<vmem>> -> memref<40xi32, #tpu.memory_space<vmem>>
        %dma_start3A_367 = arith.constant 0 : i32
        %dma_start3A_368 = arith.constant 0 : i32
        %dma_start3A_369 = tpu.memref_slice %arg3[%dma_start3A_367, %dma_start3A_368] : memref<49408x768xf32, #tpu.memory_space<hbm>> -> memref<49408x768xf32, #tpu.memory_space<hbm>>
        tpu.enqueue_indirect_dma source(%dma_start3A_369 : memref<49408x768xf32, #tpu.memory_space<hbm>>) target(%arg7 : memref<40x768xf32, #tpu.memory_space<vmem>>) offsets(%dma_start3A_366 : memref<40xi32, #tpu.memory_space<vmem>>) semaphore(%arg11 : memref<!tpu.dma_semaphore, #tpu.memory_space<semaphore_mem>>)
      } else {
      }
      %mul3A_190 = arith.constant 4 : i32
      %mul3A_191 = arith.muli %scan3A_29, %mul3A_190 : i32
      %add3A_192 = arith.constant 2 : i32
      %add3A_193 = arith.addi %mul3A_191, %add3A_192 : i32
      %dma_wait3A_194 = arith.constant 0 : i32
      %dma_wait3A_195 = tpu.memref_slice %arg5[%dma_wait3A_194] : memref<2560xi32, #tpu.memory_space<vmem>> -> memref<40xi32, #tpu.memory_space<vmem>>
      %dma_wait3A_196 = arith.constant 0 : i32
      %dma_wait3A_197 = arith.constant 0 : i32
      %dma_wait3A_198 = tpu.memref_slice %arg3[%dma_wait3A_196, %dma_wait3A_197] : memref<49408x768xf32, #tpu.memory_space<hbm>> -> memref<49408x768xf32, #tpu.memory_space<hbm>>
      tpu.wait_indirect_dma semaphore(%arg12 : memref<!tpu.dma_semaphore, #tpu.memory_space<semaphore_mem>>) src(%dma_wait3A_198 : memref<49408x768xf32, #tpu.memory_space<hbm>>) dst(%arg8 : memref<40x768xf32, #tpu.memory_space<vmem>>)
      %jit3A_199 = arith.constant 2 : i32
      %div3A_200 = arith.divsi %add3A_193, %jit3A_199 : i32
      %sign3A_201 = arith.constant 0 : i32
      %sign3A_202 = arith.cmpi sgt, %add3A_193, %sign3A_201 : i32
      %sign3A_203 = arith.extui %sign3A_202 : i1 to i32
      %sign3A_204 = arith.constant 0 : i32
      %sign3A_205 = arith.cmpi slt, %add3A_193, %sign3A_204 : i32
      %sign3A_206 = arith.extui %sign3A_205 : i1 to i32
      %sign3A_207 = arith.subi %sign3A_203, %sign3A_206 : i32
      %sign3A_208 = arith.constant 0 : i32
      %sign3A_209 = arith.cmpi sgt, %jit3A_199, %sign3A_208 : i32
      %sign3A_210 = arith.extui %sign3A_209 : i1 to i32
      %sign3A_211 = arith.constant 0 : i32
      %sign3A_212 = arith.cmpi slt, %jit3A_199, %sign3A_211 : i32
      %sign3A_213 = arith.extui %sign3A_212 : i1 to i32
      %sign3A_214 = arith.subi %sign3A_210, %sign3A_213 : i32
      %ne3A_215 = arith.cmpi ne, %sign3A_207, %sign3A_214 : i32
      %rem3A_216 = arith.remsi %add3A_193, %jit3A_199 : i32
      %ne3A_217 = arith.constant 0 : i32
      %ne3A_218 = arith.cmpi ne, %rem3A_216, %ne3A_217 : i32
      %and3A_219 = arith.andi %ne3A_215, %ne3A_218 : i1
      %sub3A_220 = arith.constant 1 : i32
      %sub3A_221 = arith.subi %div3A_200, %sub3A_220 : i32
      %select_n3A_222 = arith.select %and3A_219, %sub3A_221, %div3A_200 : i32
      %rem3A_223 = arith.constant 2 : i32
      %rem3A_224 = arith.remsi %add3A_193, %rem3A_223 : i32
      %add3A_225 = arith.addi %mul3A_2, %select_n3A_222 : i32
      %mul3A_226 = arith.constant 40 : i32
      %mul3A_227 = arith.muli %rem3A_224, %mul3A_226 : i32
      %dma_start3A_228 = arith.constant 0 : i32
      %dma_start3A_229 = tpu.memref_slice %arg4[%add3A_225, %mul3A_227, %dma_start3A_228] : memref<1024x80x768xf32, #tpu.memory_space<hbm>> -> memref<1x40x768xf32, #tpu.memory_space<hbm>>
      %dma_start3A_230 = tpu.memref_squeeze %dma_start3A_229 : memref<1x40x768xf32, #tpu.memory_space<hbm>> -> memref<40x768xf32, #tpu.memory_space<hbm>>
      %dma_start3A_231 = arith.constant 0 : i32
      %dma_start3A_232 = tpu.memref_slice %arg4[%add3A_225, %mul3A_227, %dma_start3A_231] : memref<1024x80x768xf32, #tpu.memory_space<hbm>> -> memref<1x40x768xf32, #tpu.memory_space<hbm>>
      %dma_start3A_233 = tpu.memref_squeeze %dma_start3A_232 : memref<1x40x768xf32, #tpu.memory_space<hbm>> -> memref<40x768xf32, #tpu.memory_space<hbm>>
      tpu.enqueue_dma source(%arg8 : memref<40x768xf32, #tpu.memory_space<vmem>>) target(%dma_start3A_233 : memref<40x768xf32, #tpu.memory_space<hbm>>) target_semaphore(%arg16 : memref<!tpu.dma_semaphore, #tpu.memory_space<semaphore_mem>>)
      %jit3A_234 = arith.constant 2 : i32
      %div3A_235 = arith.divsi %add3A_193, %jit3A_234 : i32
      %sign3A_236 = arith.constant 0 : i32
      %sign3A_237 = arith.cmpi sgt, %add3A_193, %sign3A_236 : i32
      %sign3A_238 = arith.extui %sign3A_237 : i1 to i32
      %sign3A_239 = arith.constant 0 : i32
      %sign3A_240 = arith.cmpi slt, %add3A_193, %sign3A_239 : i32
      %sign3A_241 = arith.extui %sign3A_240 : i1 to i32
      %sign3A_242 = arith.subi %sign3A_238, %sign3A_241 : i32
      %sign3A_243 = arith.constant 0 : i32
      %sign3A_244 = arith.cmpi sgt, %jit3A_234, %sign3A_243 : i32
      %sign3A_245 = arith.extui %sign3A_244 : i1 to i32
      %sign3A_246 = arith.constant 0 : i32
      %sign3A_247 = arith.cmpi slt, %jit3A_234, %sign3A_246 : i32
      %sign3A_248 = arith.extui %sign3A_247 : i1 to i32
      %sign3A_249 = arith.subi %sign3A_245, %sign3A_248 : i32
      %ne3A_250 = arith.cmpi ne, %sign3A_242, %sign3A_249 : i32
      %rem3A_251 = arith.remsi %add3A_193, %jit3A_234 : i32
      %ne3A_252 = arith.constant 0 : i32
      %ne3A_253 = arith.cmpi ne, %rem3A_251, %ne3A_252 : i32
      %and3A_254 = arith.andi %ne3A_250, %ne3A_253 : i1
      %sub3A_255 = arith.constant 1 : i32
      %sub3A_256 = arith.subi %div3A_235, %sub3A_255 : i32
      %select_n3A_257 = arith.select %and3A_254, %sub3A_256, %div3A_235 : i32
      %rem3A_258 = arith.constant 2 : i32
      %rem3A_259 = arith.remsi %add3A_193, %rem3A_258 : i32
      %add3A_260 = arith.addi %mul3A_2, %select_n3A_257 : i32
      %mul3A_261 = arith.constant 40 : i32
      %mul3A_262 = arith.muli %rem3A_259, %mul3A_261 : i32
      %dma_wait3A_263 = arith.constant 0 : i32
      %dma_wait3A_264 = tpu.memref_slice %arg4[%add3A_260, %mul3A_262, %dma_wait3A_263] : memref<1024x80x768xf32, #tpu.memory_space<hbm>> -> memref<1x40x768xf32, #tpu.memory_space<hbm>>
      %dma_wait3A_265 = tpu.memref_squeeze %dma_wait3A_264 : memref<1x40x768xf32, #tpu.memory_space<hbm>> -> memref<40x768xf32, #tpu.memory_space<hbm>>
      %dma_wait3A_266 = arith.constant 0 : i32
      %dma_wait3A_267 = tpu.memref_slice %arg4[%add3A_260, %mul3A_262, %dma_wait3A_266] : memref<1024x80x768xf32, #tpu.memory_space<hbm>> -> memref<1x40x768xf32, #tpu.memory_space<hbm>>
      %dma_wait3A_268 = tpu.memref_squeeze %dma_wait3A_267 : memref<1x40x768xf32, #tpu.memory_space<hbm>> -> memref<40x768xf32, #tpu.memory_space<hbm>>
      tpu.wait_dma2 semaphore(%arg16 : memref<!tpu.dma_semaphore, #tpu.memory_space<semaphore_mem>>) src(%arg8 : memref<40x768xf32, #tpu.memory_space<vmem>>) dst(%dma_wait3A_268 : memref<40x768xf32, #tpu.memory_space<hbm>>)
      %add3A_269 = arith.constant 4 : i32
      %add3A_270 = arith.addi %add3A_193, %add3A_269 : i32
      %lt3A_271 = arith.constant 64 : i32
      %lt3A_272 = arith.cmpi slt, %add3A_270, %lt3A_271 : i32
      %convert_element_type3A_273 = arith.extui %lt3A_272 : i1 to i32
      %cond3A_274 = arith.constant 0 : i32
      %cond3A_275 = arith.cmpi ne, %convert_element_type3A_273, %cond3A_274 : i32
      scf.if %cond3A_275 {
        %add3A_362 = arith.constant 4 : i32
        %add3A_363 = arith.addi %add3A_193, %add3A_362 : i32
        %mul3A_364 = arith.constant 40 : i32
        %mul3A_365 = arith.muli %add3A_363, %mul3A_364 : i32
        %dma_start3A_366 = tpu.memref_slice %arg5[%mul3A_365] : memref<2560xi32, #tpu.memory_space<vmem>> -> memref<40xi32, #tpu.memory_space<vmem>>
        %dma_start3A_367 = arith.constant 0 : i32
        %dma_start3A_368 = arith.constant 0 : i32
        %dma_start3A_369 = tpu.memref_slice %arg3[%dma_start3A_367, %dma_start3A_368] : memref<49408x768xf32, #tpu.memory_space<hbm>> -> memref<49408x768xf32, #tpu.memory_space<hbm>>
        tpu.enqueue_indirect_dma source(%dma_start3A_369 : memref<49408x768xf32, #tpu.memory_space<hbm>>) target(%arg8 : memref<40x768xf32, #tpu.memory_space<vmem>>) offsets(%dma_start3A_366 : memref<40xi32, #tpu.memory_space<vmem>>) semaphore(%arg12 : memref<!tpu.dma_semaphore, #tpu.memory_space<semaphore_mem>>)
      } else {
      }
      %mul3A_276 = arith.constant 4 : i32
      %mul3A_277 = arith.muli %scan3A_29, %mul3A_276 : i32
      %add3A_278 = arith.constant 3 : i32
      %add3A_279 = arith.addi %mul3A_277, %add3A_278 : i32
      %dma_wait3A_280 = arith.constant 0 : i32
      %dma_wait3A_281 = tpu.memref_slice %arg5[%dma_wait3A_280] : memref<2560xi32, #tpu.memory_space<vmem>> -> memref<40xi32, #tpu.memory_space<vmem>>
      %dma_wait3A_282 = arith.constant 0 : i32
      %dma_wait3A_283 = arith.constant 0 : i32
      %dma_wait3A_284 = tpu.memref_slice %arg3[%dma_wait3A_282, %dma_wait3A_283] : memref<49408x768xf32, #tpu.memory_space<hbm>> -> memref<49408x768xf32, #tpu.memory_space<hbm>>
      tpu.wait_indirect_dma semaphore(%arg13 : memref<!tpu.dma_semaphore, #tpu.memory_space<semaphore_mem>>) src(%dma_wait3A_284 : memref<49408x768xf32, #tpu.memory_space<hbm>>) dst(%arg9 : memref<40x768xf32, #tpu.memory_space<vmem>>)
      %jit3A_285 = arith.constant 2 : i32
      %div3A_286 = arith.divsi %add3A_279, %jit3A_285 : i32
      %sign3A_287 = arith.constant 0 : i32
      %sign3A_288 = arith.cmpi sgt, %add3A_279, %sign3A_287 : i32
      %sign3A_289 = arith.extui %sign3A_288 : i1 to i32
      %sign3A_290 = arith.constant 0 : i32
      %sign3A_291 = arith.cmpi slt, %add3A_279, %sign3A_290 : i32
      %sign3A_292 = arith.extui %sign3A_291 : i1 to i32
      %sign3A_293 = arith.subi %sign3A_289, %sign3A_292 : i32
      %sign3A_294 = arith.constant 0 : i32
      %sign3A_295 = arith.cmpi sgt, %jit3A_285, %sign3A_294 : i32
      %sign3A_296 = arith.extui %sign3A_295 : i1 to i32
      %sign3A_297 = arith.constant 0 : i32
      %sign3A_298 = arith.cmpi slt, %jit3A_285, %sign3A_297 : i32
      %sign3A_299 = arith.extui %sign3A_298 : i1 to i32
      %sign3A_300 = arith.subi %sign3A_296, %sign3A_299 : i32
      %ne3A_301 = arith.cmpi ne, %sign3A_293, %sign3A_300 : i32
      %rem3A_302 = arith.remsi %add3A_279, %jit3A_285 : i32
      %ne3A_303 = arith.constant 0 : i32
      %ne3A_304 = arith.cmpi ne, %rem3A_302, %ne3A_303 : i32
      %and3A_305 = arith.andi %ne3A_301, %ne3A_304 : i1
      %sub3A_306 = arith.constant 1 : i32
      %sub3A_307 = arith.subi %div3A_286, %sub3A_306 : i32
      %select_n3A_308 = arith.select %and3A_305, %sub3A_307, %div3A_286 : i32
      %rem3A_309 = arith.constant 2 : i32
      %rem3A_310 = arith.remsi %add3A_279, %rem3A_309 : i32
      %add3A_311 = arith.addi %mul3A_2, %select_n3A_308 : i32
      %mul3A_312 = arith.constant 40 : i32
      %mul3A_313 = arith.muli %rem3A_310, %mul3A_312 : i32
      %dma_start3A_314 = arith.constant 0 : i32
      %dma_start3A_315 = tpu.memref_slice %arg4[%add3A_311, %mul3A_313, %dma_start3A_314] : memref<1024x80x768xf32, #tpu.memory_space<hbm>> -> memref<1x40x768xf32, #tpu.memory_space<hbm>>
      %dma_start3A_316 = tpu.memref_squeeze %dma_start3A_315 : memref<1x40x768xf32, #tpu.memory_space<hbm>> -> memref<40x768xf32, #tpu.memory_space<hbm>>
      %dma_start3A_317 = arith.constant 0 : i32
      %dma_start3A_318 = tpu.memref_slice %arg4[%add3A_311, %mul3A_313, %dma_start3A_317] : memref<1024x80x768xf32, #tpu.memory_space<hbm>> -> memref<1x40x768xf32, #tpu.memory_space<hbm>>
      %dma_start3A_319 = tpu.memref_squeeze %dma_start3A_318 : memref<1x40x768xf32, #tpu.memory_space<hbm>> -> memref<40x768xf32, #tpu.memory_space<hbm>>
      tpu.enqueue_dma source(%arg9 : memref<40x768xf32, #tpu.memory_space<vmem>>) target(%dma_start3A_319 : memref<40x768xf32, #tpu.memory_space<hbm>>) target_semaphore(%arg17 : memref<!tpu.dma_semaphore, #tpu.memory_space<semaphore_mem>>)
      %jit3A_320 = arith.constant 2 : i32
      %div3A_321 = arith.divsi %add3A_279, %jit3A_320 : i32
      %sign3A_322 = arith.constant 0 : i32
      %sign3A_323 = arith.cmpi sgt, %add3A_279, %sign3A_322 : i32
      %sign3A_324 = arith.extui %sign3A_323 : i1 to i32
      %sign3A_325 = arith.constant 0 : i32
      %sign3A_326 = arith.cmpi slt, %add3A_279, %sign3A_325 : i32
      %sign3A_327 = arith.extui %sign3A_326 : i1 to i32
      %sign3A_328 = arith.subi %sign3A_324, %sign3A_327 : i32
      %sign3A_329 = arith.constant 0 : i32
      %sign3A_330 = arith.cmpi sgt, %jit3A_320, %sign3A_329 : i32
      %sign3A_331 = arith.extui %sign3A_330 : i1 to i32
      %sign3A_332 = arith.constant 0 : i32
      %sign3A_333 = arith.cmpi slt, %jit3A_320, %sign3A_332 : i32
      %sign3A_334 = arith.extui %sign3A_333 : i1 to i32
      %sign3A_335 = arith.subi %sign3A_331, %sign3A_334 : i32
      %ne3A_336 = arith.cmpi ne, %sign3A_328, %sign3A_335 : i32
      %rem3A_337 = arith.remsi %add3A_279, %jit3A_320 : i32
      %ne3A_338 = arith.constant 0 : i32
      %ne3A_339 = arith.cmpi ne, %rem3A_337, %ne3A_338 : i32
      %and3A_340 = arith.andi %ne3A_336, %ne3A_339 : i1
      %sub3A_341 = arith.constant 1 : i32
      %sub3A_342 = arith.subi %div3A_321, %sub3A_341 : i32
      %select_n3A_343 = arith.select %and3A_340, %sub3A_342, %div3A_321 : i32
      %rem3A_344 = arith.constant 2 : i32
      %rem3A_345 = arith.remsi %add3A_279, %rem3A_344 : i32
      %add3A_346 = arith.addi %mul3A_2, %select_n3A_343 : i32
      %mul3A_347 = arith.constant 40 : i32
      %mul3A_348 = arith.muli %rem3A_345, %mul3A_347 : i32
      %dma_wait3A_349 = arith.constant 0 : i32
      %dma_wait3A_350 = tpu.memref_slice %arg4[%add3A_346, %mul3A_348, %dma_wait3A_349] : memref<1024x80x768xf32, #tpu.memory_space<hbm>> -> memref<1x40x768xf32, #tpu.memory_space<hbm>>
      %dma_wait3A_351 = tpu.memref_squeeze %dma_wait3A_350 : memref<1x40x768xf32, #tpu.memory_space<hbm>> -> memref<40x768xf32, #tpu.memory_space<hbm>>
      %dma_wait3A_352 = arith.constant 0 : i32
      %dma_wait3A_353 = tpu.memref_slice %arg4[%add3A_346, %mul3A_348, %dma_wait3A_352] : memref<1024x80x768xf32, #tpu.memory_space<hbm>> -> memref<1x40x768xf32, #tpu.memory_space<hbm>>
      %dma_wait3A_354 = tpu.memref_squeeze %dma_wait3A_353 : memref<1x40x768xf32, #tpu.memory_space<hbm>> -> memref<40x768xf32, #tpu.memory_space<hbm>>
      tpu.wait_dma2 semaphore(%arg17 : memref<!tpu.dma_semaphore, #tpu.memory_space<semaphore_mem>>) src(%arg9 : memref<40x768xf32, #tpu.memory_space<vmem>>) dst(%dma_wait3A_354 : memref<40x768xf32, #tpu.memory_space<hbm>>)
      %add3A_355 = arith.constant 4 : i32
      %add3A_356 = arith.addi %add3A_279, %add3A_355 : i32
      %lt3A_357 = arith.constant 64 : i32
      %lt3A_358 = arith.cmpi slt, %add3A_356, %lt3A_357 : i32
      %convert_element_type3A_359 = arith.extui %lt3A_358 : i1 to i32
      %cond3A_360 = arith.constant 0 : i32
      %cond3A_361 = arith.cmpi ne, %convert_element_type3A_359, %cond3A_360 : i32
      scf.if %cond3A_361 {
        %add3A_362 = arith.constant 4 : i32
        %add3A_363 = arith.addi %add3A_279, %add3A_362 : i32
        %mul3A_364 = arith.constant 40 : i32
        %mul3A_365 = arith.muli %add3A_363, %mul3A_364 : i32
        %dma_start3A_366 = tpu.memref_slice %arg5[%mul3A_365] : memref<2560xi32, #tpu.memory_space<vmem>> -> memref<40xi32, #tpu.memory_space<vmem>>
        %dma_start3A_367 = arith.constant 0 : i32
        %dma_start3A_368 = arith.constant 0 : i32
        %dma_start3A_369 = tpu.memref_slice %arg3[%dma_start3A_367, %dma_start3A_368] : memref<49408x768xf32, #tpu.memory_space<hbm>> -> memref<49408x768xf32, #tpu.memory_space<hbm>>
        tpu.enqueue_indirect_dma source(%dma_start3A_369 : memref<49408x768xf32, #tpu.memory_space<hbm>>) target(%arg9 : memref<40x768xf32, #tpu.memory_space<vmem>>) offsets(%dma_start3A_366 : memref<40xi32, #tpu.memory_space<vmem>>) semaphore(%arg13 : memref<!tpu.dma_semaphore, #tpu.memory_space<semaphore_mem>>)
      } else {
      }
    }
    %scan3A_28 = arith.constant 16 : i32
    return
  }
}

module attributes {stable_mosaic.version = 14 : i64} {
  func.func @body(%arg0: i32, %arg1: memref<16x80x768xf32, #tpu.memory_space<vmem>>, %arg2: memref<80x768xf32, #tpu.memory_space<vmem>>, %arg3: memref<16x77x768xf32, #tpu.memory_space<vmem>>) attributes {dimension_semantics = [#tpu.dimension_semantics<arbitrary>], iteration_bounds = array<i64: 64>, scalar_prefetch = 0 : i64, scratch_operands = 0 : i64, tpu.core_type = #tpu.core_type<tc>, window_params = [{transform_indices = @transform_0, window_bounds = array<i64: 16, 80, 768>}, {pipeline_mode = #tpu.pipeline_mode<synchronous>, transform_indices = @transform_1, window_bounds = array<i64: 80, 768>}, {transform_indices = @transform_2, window_bounds = array<i64: 16, 77, 768>}]} {
    %get3A = arith.constant 0 : index
    %get3A_0 = arith.constant 0 : index
    %get3A_1 = vector.load %arg2[%get3A, %get3A_0] : memref<80x768xf32, #tpu.memory_space<vmem>>, vector<77x768xf32>
    %get3A_2 = arith.constant 0 : index
    %get3A_3 = arith.constant 0 : index
    %get3A_4 = arith.constant 0 : index
    %get3A_5 = vector.load %arg1[%get3A_2, %get3A_3, %get3A_4] : memref<16x80x768xf32, #tpu.memory_space<vmem>>, vector<16x77x768xf32>
    %broadcast_in_dim3A = vector.shape_cast %get3A_1 : vector<77x768xf32> to vector<1x77x768xf32>
    %add3A = vector.broadcast %broadcast_in_dim3A : vector<1x77x768xf32> to vector<16x77x768xf32>
    %add3A_6 = arith.addf %get3A_5, %add3A : vector<16x77x768xf32>
    %swap3A = arith.constant 0 : index
    %swap3A_7 = arith.constant 0 : index
    %swap3A_8 = arith.constant 0 : index
    %swap3A_9 = vector.load %arg3[%swap3A, %swap3A_7, %swap3A_8] : memref<16x77x768xf32, #tpu.memory_space<vmem>>, vector<16x77x768xf32>
    tpu.vector_store %arg3[%swap3A, %swap3A_7, %swap3A_8], %add3A_6 {strides = array<i32>} : memref<16x77x768xf32, #tpu.memory_space<vmem>>, vector<16x77x768xf32>,
    return
  }
  func.func @transform_0(%arg0: i32) -> (i32, i32, i32) {
    %c0_i32 = arith.constant 0 : i32
    %c0_i32_0 = arith.constant 0 : i32
    %c0_i32_1 = arith.constant 0 : i32
    return %arg0, %c0_i32, %c0_i32_0 : i32, i32, i32
  }
  func.func @transform_1(%arg0: i32) -> (i32, i32) {
    %c0_i32 = arith.constant 0 : i32
    %c0_i32_0 = arith.constant 0 : i32
    %c0_i32_1 = arith.constant 0 : i32
    return %c0_i32, %c0_i32_0 : i32, i32
  }
  func.func @transform_2(%arg0: i32) -> (i32, i32, i32) {
    %c0_i32 = arith.constant 0 : i32
    %c0_i32_0 = arith.constant 0 : i32
    %c0_i32_1 = arith.constant 0 : i32
    return %arg0, %c0_i32, %c0_i32_0 : i32, i32, i32
  }
}

</mosaic_0001>

<sc_bundles>
// kernel: kernel.4.cloned.1.call-start
scs
__scs_entry_jumppad:
0x0: {  	(pc) =	sbr.rel $0x88, $3  }
0x1: {  	(tag) =	ssettag $0x0;
	lr =	simm.s32 $0x1  }
0x2: {  	[smem:$0x3F9E] =	sst lr;
	_ =	strace $0xD0000000  }
0x3: {  	_ = 	snop  }
0x4: {  	_ = 	snop  }
0x5: {  	_ = 	snop  }
0x6: {  	_ = 	snop  }
0x7: {  	_ = 	snop  }
__scs_overlays_trampoline_lowered:
0x8: {  	[smem:$0x3FAD] =	sst s0  }
0x9: {  	[smem:$0x3FAE] =	sst s1  }
0xa: {  	[smem:$0x3FAF] =	sst s2  }
0xb: {  	[smem:$0x3FB0] =	sst s3  }
0xc: {  	[smem:$0x3FB1] =	sst s4  }
0xd: {  	[smem:$0x3FB2] =	sst s5  }
0xe: {  	[smem:$0x3FB3] =	sst s6  }
0xf: {  	[smem:$0x3FB4] =	sst s7  }
0x10: {  	[smem:$0x3FB5] =	sst s8  }
0x11: {  	[smem:$0x3FB6] =	sst s9;
	s0 =	simm.s32 @!p0 $0x0  }
0x12: {  	s1 =	sld [smem:$0x3F9C];
	s0 =	simm.s32 @p0 $0x1  }
0x13: {  	[smem:$0x3FB7] =	sst s0;
	s0 =	simm.s32 @!p1 $0x0  }
0x14: {  	s2 =	sld [smem:$0x3F9B];
	s0 =	simm.s32 @p1 $0x1  }
0x15: {  	[smem:$0x3FB8] =	sst s0;
	s0 =	simm.s32 @!p2 $0x0  }
0x16: {  	s3 =	sld [smem:$0x3FDB];
	s0 =	simm.s32 @p2 $0x1  }
0x17: {  	s4 =	simm.s32 $0x1BF5;
	[smem:$0x3FBA] =	sst s0  }
0x18: {  	s0 =	sld [smem:$0x3F9D];
	_ =	swait.ge [sflag:s4], $0x0  }
0x19: {  	s7 =	sld [smem:$0x3F9E]  }
0x1a: {  	s8 =	sadd.s32 $0xFFFFE003, lr  }
0x1b: {  	s9 =	sadd.s32 $0xFFFFFEF7, lr;
	s5 =	simm.s32 $0xFFFFFFFF;
	p2 =	slt.u32 s8, $0xFFFFF086  }
0x1c: {  	p1 =	slt.u32 s9, $0xF7A;
	s5 =	simm.s32 @!p2 $0x0  }
0x1d: {  	s5 =	simm.s32 @p1 $0x1;
	p0 =	seq.s32 s7, s2  }
0x1e: {  	s7 =	smul.u32 @!p0 $0xF7A, s2;
	p2 =	seq.s32 @!p0 s5, $0x0  }
0x1f: {  	s9 =	smul.u32 $0xF7A, s1;
	s8 =	simm.s32 @!p0 $0x1BF5;
	p2 =	por !p2, p0  }
0x20: {  	[sflag:s8] =	ssyncset.s32 @!p0 $0xFFFFF086;
	s6 =	sadd.s32 @!p0 s3, s7;
	s7 =	simm.s32 @!p0 $0x108  }
0x21: {  	s3 =	sadd.s32 s3, s9;
	s6 =	sadd.s32 @!p0 $0x88, s6;
	s7 =	simm.s32 @p2 $0x1082  }
0x22: {  	[simem:s7], [sflag:s8] =	dma.local @!p0 [hbm:s6], $0xF7A  }
0x23: {  	s9 =	sor.u32 $0xD0000000, s2;
	s6 =	simm.s32 $0x108;
	_ =	swait.ge @!p0 [sflag:s8], $0x0  }
0x24: {  	s3 =	sadd.s32 $0x88, s3;
	s6 =	simm.s32 @!p1 $0x1082;
	[sflag:s4] =	ssyncset.s32 $0xFFFFF086  }
0x25: {  	[simem:s6], [sflag:s4] =	dma.local [hbm:s3], $0xF7A  }
0x26: {  	[smem:$0x3F9E] =	sst s1;
	(tag) =	ssettag s2;
	_ =	strace s9  }
0x27: {  	s1 =	sld [smem:$0x3FAE]  }
0x28: {  	s2 =	sld [smem:$0x3FAF]  }
0x29: {  	s4 =	sld [smem:$0x3FB1]  }
0x2a: {  	p0 =	seq.s32 s5, $0x0;
	s5 =	sld [smem:$0x3FB2]  }
0x2b: {  	s6 =	sld [smem:$0x3FB3]  }
0x2c: {  	s7 =	sld [smem:$0x3FB4]  }
0x2d: {  	s3 =	simm.s32 $0x108;
	s8 =	sld [smem:$0x3FB5]  }
0x2e: {  	s3 =	simm.s32 @!p0 $0x1082;
	s9 =	sld [smem:$0x3FB6]  }
0x2f: {  	lr =	sadd.s32 s0, s3;
	s0 =	sld [smem:$0x3FAD]  }
0x30: {  	s3 =	sld [smem:$0x3FB0]  }
0x31: {  	[smem:$0x3FB9] =	sst s10  }
0x32: {  	s10 =	sld [smem:$0x3FB7];
	_ =	sdelay $0x3  }
0x33: {  	p0 =	seq.s32 s10, $0x1;
	s10 =	sld [smem:$0x3FB9];
	_ =	sdelay $0x3  }
0x34: {  	[smem:$0x3FB9] =	sst s10  }
0x35: {  	s10 =	sld [smem:$0x3FB8];
	_ =	sdelay $0x3  }
0x36: {  	p1 =	seq.s32 s10, $0x1;
	s10 =	sld [smem:$0x3FB9];
	_ =	sdelay $0x3  }
0x37: {  	[smem:$0x3FB9] =	sst s10  }
0x38: {  	s10 =	sld [smem:$0x3FBA]  }
0x39: {  	_ = 	snop;
	(pc) =	sbr.ind lr, $3  }
0x3a: {  	_ = 	snop  }
0x3b: {  	_ = 	snop  }
0x3c: {  	p2 =	seq.s32 s10, $0x1;
	s10 =	sld [smem:$0x3FB9]  }
0x3d: {  	_ =	shalt  }
0x3e: {  	_ =	shalt  }
0x3f: {  	_ =	shalt  }
0x40: {  	_ =	shalt  }
0x41: {  	_ =	shalt  }
0x42: {  	_ =	shalt  }
0x43: {  	_ =	shalt  }
0x44: {  	_ =	shalt  }
0x45: {  	_ =	shalt  }
0x46: {  	_ =	shalt  }
0x47: {  	_ =	shalt  }
0x48: {  	_ =	shalt  }
0x49: {  	_ =	shalt  }
0x4a: {  	_ =	shalt  }
0x4b: {  	_ =	shalt  }
0x4c: {  	_ =	shalt  }
0x4d: {  	_ =	shalt  }
0x4e: {  	_ =	shalt  }
0x4f: {  	_ =	shalt  }
0x50: {  	_ =	shalt  }
0x51: {  	_ =	shalt  }
0x52: {  	_ =	shalt  }
0x53: {  	_ =	shalt  }
0x54: {  	_ =	shalt  }
0x55: {  	_ =	shalt  }
0x56: {  	_ =	shalt  }
0x57: {  	_ =	shalt  }
0x58: {  	_ =	shalt  }
0x59: {  	_ =	shalt  }
0x5a: {  	_ =	shalt  }
0x5b: {  	_ =	shalt  }
0x5c: {  	_ =	shalt  }
0x5d: {  	_ =	shalt  }
0x5e: {  	_ =	shalt  }
0x5f: {  	_ =	shalt  }
0x60: {  	_ =	shalt  }
0x61: {  	_ =	shalt  }
0x62: {  	_ =	shalt  }
0x63: {  	_ =	shalt  }
0x64: {  	_ =	shalt  }
0x65: {  	_ =	shalt  }
0x66: {  	_ =	shalt  }
0x67: {  	_ =	shalt  }
0x68: {  	_ =	shalt  }
0x69: {  	_ =	shalt  }
0x6a: {  	_ =	shalt  }
0x6b: {  	_ =	shalt  }
0x6c: {  	_ =	shalt  }
0x6d: {  	_ =	shalt  }
0x6e: {  	_ =	shalt  }
0x6f: {  	_ =	shalt  }
0x70: {  	_ =	shalt  }
0x71: {  	_ =	shalt  }
0x72: {  	_ =	shalt  }
0x73: {  	_ =	shalt  }
0x74: {  	_ =	shalt  }
0x75: {  	_ =	shalt  }
0x76: {  	_ =	shalt  }
0x77: {  	_ =	shalt  }
0x78: {  	_ =	shalt  }
0x79: {  	_ =	shalt  }
0x7a: {  	_ =	shalt  }
0x7b: {  	_ =	shalt  }
0x7c: {  	_ =	shalt  }
0x7d: {  	_ =	shalt  }
0x7e: {  	_ =	shalt  }
0x7f: {  	_ =	shalt  }
0x80: {  	_ =	shalt  }
0x81: {  	_ =	shalt  }
0x82: {  	_ =	shalt  }
0x83: {  	_ =	shalt  }
0x84: {  	_ =	shalt  }
0x85: {  	_ =	shalt  }
0x86: {  	_ =	shalt  }
0x87: {  	_ =	shalt  }
.Lfunc_end0:
.L_simem_size_0:
called_computation_lowered:
.L_overlay_start_0:
0x88: {  	s2 =	sld [smem:$0x3FD9]  }
0x89: {  	s3 =	sld [smem:$0x3FFE];
	_ =	sdelay $0x1  }
0x8a: {  	s1 =	srdreg.scid  }
0x8b: {  	s0 =	sand.u32 $0x1, s1  }
0x8c: {  	s17 =	sshll.u32 s0, $0xA;
	s2 =	sadd.s32 s3, s2  }
0x8d: {  	s2 =	sadd.s32 s2, s17  }
0x8e: {  	[smem:$0x3FC5] =	sst s2  }
0x8f: {  	_ = 	snop  }
0x90: {  	s2 =	sld [smem:$0x3FC8]  }
0x91: {  	s18 =	sld [smem:$0x3FD0];
	(tm) =	ssettm $0x1  }
0x92: {  	s4 =	sld [smem:$0x3FFB];
	_ =	sdelay $0x3  }
0x93: {  	_ =	strace s4  }
0x94: {  	s4 =	sld [smem:$0x3FFC];
	_ =	sdelay $0x3  }
0x95: {  	_ =	strace s4  }
0x96: {  	s4 =	sld [smem:$0x3FFD];
	_ =	sdelay $0x3  }
0x97: {  	_ =	strace s4  }
0x98: {  	_ =	strace $0x8FFFFFFF  }
0x99: {  	s19 =	sld [smem:$0x3FDB];
	_ =	sdelay $0x1  }
0x9a: {  	s5 =	simm.s32 $_scs_section_size  }
0x9b: {  	s6 =	simm.s32 $_size__tile_overlayer_lowered;
	s7 =	simm.s32 $_tile_overlayer_lowered  }
0x9c: {  	s22 =	simm.s32 $0x1BFF;
	s21 =	sshll.u32 s7, $0x1;
	s4 =	sadd.s32 s5, s19  }
0x9d: {  	s8 =	simm.s32 $0x0;
	s20 =	sshll.u32 s6, $0x1;
	s6 =	sadd.s32 s21, s4  }
0x9e: {  	[timem:s8], [sflag:s22] =	dma.local [hbm:s6], s20  }
0x9f: {  	_ =	swait.ge [sflag:s22], s20  }
0xa0: {  	s5 =	ssub.s32 $0x0, s20;
	[sflag:s22] =	ssyncset.done $0x0  }
0xa1: {  	[sflag:s22] =	ssyncadd.s32 s5;
	_ =	sdelay $0x1  }
0xa2: {  	s23 =	simm.s32 $0x1B8B  }
0xa3: {  	_ =	swait.ge [sflag:s23], $0x1  }
0xa4: {  	[sflag:s23] =	ssyncset.done $0x0  }
0xa5: {  	s25 =	simm.s32 $0x1B8E;
	s24 =	sld [smem:$0x3FFE];
	[sflag:s23] =	ssyncadd.s32 $0xFFFFFFFF  }
0xa6: {  	s26 =	simm.s32 $execute0_lowered;
	[smem:$0x3FD2] =	sst s25  }
0xa7: {  	s6 =	sshll.u32 s26, $0x1;
	_ =	strace $0x80000046;
	[dreg:$0x1] =	wrdreg $0xFFFFFFFF  }
0xa8: {  	s28 =	simm.s32 $_size_execute0_lowered;
	s4 =	sadd.s32 s4, s6;
	[dreg:$0x0] =	wrdreg $0x0  }
0xa9: {  	s6 =	sshll.u32 s28, $0x1;
	[dreg:$0x2] =	wrdreg s4  }
0xaa: {  	[dreg:$0x3] =	wrdreg s6  }
0xab: {  	[dreg:$0x4] =	wrdreg $0xC0  }
0xac: {  	_ =	task [dreg:s8], $0x5FFFF  }
0xad: {  	[dreg:$0x1] =	wrdreg $0xFFFFFFFF  }
0xae: {  	[dreg:$0x0] =	wrdreg $0x60  }
0xaf: {  	[dreg:$0x2] =	wrdreg s18  }
0xb0: {  	[dreg:$0x3] =	wrdreg s2  }
0xb1: {  	[dreg:$0x4] =	wrdreg s24  }
0xb2: {  	[dreg:$0x5] =	wrdreg $0x9  }
0xb3: {  	_ =	task.clear_ibuf [dreg:s8], $0x6FFFF;
	_ =	strace $0x90000046  }
0xb4: {  	s29 =	simm.s32 $0x9;
	_ =	strace $0x80000048  }
0xb5: {  	_ =	swait.ge [sflag:s29], $0x1  }
0xb6: {  	[sflag:s29] =	ssyncadd.s32 $0xFFFFFFFF  }
0xb7: {  	_ =	strace $0x90000048  }
0xb8: {  	_ =	sfence  }
0xb9: {  	s30 =	sld [smem:$0x0];
	_ =	sdelay $0x2  }
0xba: {  	s31 =	sshll.u32 s1, $0xD;
	s1 =	sshrl.u32 s1, $0x2  }
0xbb: {  	s3 =	sand.u32 $0x4000, s31;
	s1 =	sadd.s32 s1, s30  }
0xbc: {  	s0 =	sor.u32 s3, s0;
	s1 =	sshll.u32 s1, $0x11  }
0xbd: {  	s0 =	sor.u32 s1, s0  }
0xbe: {  	s0 =	sadd.s32 $0x8F2B, s0  }
0xbf: {  	[sflag:s0] =	ssyncadd.remote.s32 $0x1  }
0xc0: {  	_ =	sfence.sel $0xFFFF  }
0xc1: {  	[dreg:$0x0] =	wrdreg $0xFFFFFFFF;
	(pc) =	sbr.abs _section_cstart, $3  }
0xc2: {  	[dreg:$0x1] =	wrdreg $0xFFFFFFFF  }
0xc3: {  	_ =	task.clear_ibuf [dreg:s8], $0x2FFFF;
	_ =	strace $0x9FFFFFFF  }
0xc4: {  	(tm) =	ssettm $0x7FFFFFFF  }
0xc5: {  	_ =	shalt  }
tec
execute0_lowered:
.L_overlay_start_1:
0x0: {  	(tag) =	ssettag $0x1  }
0x1: {  	s0 =	rddreg [dreg:$0x0]  }
0x2: {  	s2 =	rddreg [dreg:$0x1]  }
0x3: {  	s1 =	rddreg [dreg:$0x2]  }
0x4: {  	s4 =	srdreg.scid;
	s9 =	stileid.u32  }
0x5: {  	s3 =	simm.s32 $0x0;
	s18 =	simm.s32 $0x17200;
	s29 =	simm.s32 $0x1B200  }
0x6: {  	s30 =	simm.s32 $0x1BA00;
	s31 =	simm.s32 $0x1C200;
	s13 =	simm.s32 $0x1DA00  }
0x7: {  	s14 =	simm.s32 $0x1E200;
	s15 =	simm.s32 $0x1;
	s16 =	simm.s32 $0x5  }
0x8: {  	s17 =	simm.s32 $0x2;
	s11 =	simm.s32 $0x7;
	s12 =	simm.s32 $0x4  }
0x9: {  	s28 =	simm.s32 $0x8;
	s20 =	simm.s32 $0x0;
	s8 =	smul.u32 $0x3C0000, s9  }
0xa: {  	s4 =	sand.u32 $0x1, s4;
	s5 =	sshll.u32 s9, $0x1;
	s9 =	smul.u32 $0x78000, s9  }
0xb: {  	[smem:$0x7FF] =	sst s3;
	s5 =	sor.u32 s4, s5;
	s23 =	smul.u32 $0x1E0000, s4  }
0xc: {  	s1 =	sadd.s32 $0x600, s1;
	s6 =	ssub.s32 $0x2, s4;
	s5 =	smul.u32 $0x140, s5  }
0xd: {  	_ =	strace $0x80000047;
	s4 =	smul.u32 $0x3C000, s4;
	s7 =	sshrl.u32 s6, $0x1  }
0xe: {  	s24 =	sadd.s32 s9, s1;
	s7 =	ssub.s32 s6, s7;
	s0 =	sadd.s32 s0, s5  }
0xf: {  	s6 =	sadd.s32 $0x200, s2;
	s7 =	smax.u32 s7, $0x1;
	[dreg:$0x4] =	wrdreg s0  }
0x10: {  	s5 =	sadd.s32 $0x100, s2;
	[dreg:$0x5] =	wrdreg s7;
	s0 =	sadd.s32 s23, s8  }
.Ltmp0:
0x11: {  	s8 =	sadd.s32 s4, s24;
	s4 =	simm.s32 $0x6;
	(pc) =	sbr.rel .LBB2_1-.Ltmp0, $4  }
0x12: {  	s7 =	simm.s32 $0x3;
	s25 =	sor.u32 $0x7800, s0;
	s0 =	sor.u32 $0x16800, s0  }
0x13: {  	v2 =	vlaneseq.u32;
	s24 =	simm.s32 $0x8200;
	s26 =	sshrl.u32 s25, $0x3;
	s0 =	sshrl.u32 s0, $0x3  }
0x14: {  	vm0 =	vmmov $0xffff;
	v1 =	vshrl.u32 v2, $0x3;
	s25 =	simm.s32 $0x1A200;
	s9 =	sadd.s32 s26, s1;
	s10 =	sadd.s32 s0, s1  }
0x15: {  	v0 =	vand.u32 $0x7, v2;
	v2 =	vor.u32 $0x8, v2;
	v1 =	vmul.u32 $0x8, v1;
	s26 =	simm.s32 $0x1AA00;
	s0 =	simm.s32 $0x1CA00;
	s1 =	simm.s32 $0x1D200  }
.LBB2_4:
0x16: {  	s20 =	rddreg [dreg:$0x6]  }
0x17: {  	s19 =	rddreg [dreg:$0x5];
	s20 =	sadd.s32 $0x1, s20  }
0x18: {  	p0 =	sne.s32 s20, s19  }
.Ltmp1:
0x19: {  	_ = 	snop;
	(pc) =	sbr.rel @!p0 .LBB2_5-.Ltmp1, $1  }
0x1a: {  	_ =	sdelay $0x3  }
.LBB2_1:
0x1b: {  	[dreg:$0x6] =	wrdreg s20  }
0x1c: {  	s19 =	rddreg [dreg:$0x4];
	s21 =	simm.s32 $0x9  }
0x1d: {  	[tilespmem:s3], [sflag:$0x9] =	stream.linear.gather [hbm4b:s19+s3], $0xA00, $0x38;
	[tilespmem:$0x1EA00] =	vst v63  }
0x1e: {  	_ =	swait.ge [sflag:s21], $0xA00  }
0x1f: {  	[sflag:s21] =	ssyncset.done $0x0  }
0x20: {  	[sflag:s21] =	ssyncadd.s32 $0xFFFFF600  }
0x21: {  	v3 =	vld [tilespmem:$0x0];
	_ =	sdelay $0x4  }
0x22: {  	v4 =	vshrl.u32 v3, $0x3  }
0x23: {  	v4 =	vmul.u32 $0x30, v4  }
0x24: {  	v3 =	vand.u32 $0x7, v3  }
0x25: {  	v3 =	vor.u32 v3, v4  }
0x26: {  	v4 =	vperm.xlane v3, v0;
	_ =	sdelay $0x1  }
0x27: {  	v4 =	vadd.s32 v1, v4;
	_ =	sdelay $0x3  }
0x28: {  	s22 =	simm.s32 $0xA00;
	v3 =	vperm.xlane v3, v2  }
0x29: {  	[tilespmem:s22], [sflag:$0x1] =	stream.indirect_vreg.gather [hbm4b:s2+s3], $0x80, v4, vm0, $0xb8;
	[tilespmem:$0x1EA00] =	vst v63  }
0x2a: {  	s23 =	simm.s32 $0x1200;
	v3 =	vadd.s32 v1, v3  }
0x2b: {  	[tilespmem:s23], [sflag:$0x1] =	stream.indirect_vreg.gather [hbm4b:s5+s3], $0x80, v4, vm0, $0xb8;
	[tilespmem:$0x1EA00] =	vst v63  }
0x2c: {  	s20 =	simm.s32 $0x1A00  }
0x2d: {  	[tilespmem:s20], [sflag:$0x1] =	stream.indirect_vreg.gather [hbm4b:s6+s3], $0x80, v4, vm0, $0xb8;
	[tilespmem:$0x1EA00] =	vst v63  }
0x2e: {  	s21 =	simm.s32 $0x2200  }
0x2f: {  	[tilespmem:s21], [sflag:$0x1] =	stream.indirect_vreg.gather [hbm4b:s2+s3], $0x80, v3, vm0, $0xb8;
	[tilespmem:$0x1EA00] =	vst v63  }
0x30: {  	s22 =	simm.s32 $0x2A00  }
0x31: {  	[tilespmem:s22], [sflag:$0x1] =	stream.indirect_vreg.gather [hbm4b:s5+s3], $0x80, v3, vm0, $0xb8;
	[tilespmem:$0x1EA00] =	vst v63  }
0x32: {  	s23 =	simm.s32 $0x3200  }
0x33: {  	[tilespmem:s23], [sflag:$0x1] =	stream.indirect_vreg.gather [hbm4b:s6+s3], $0x80, v3, vm0, $0xb8;
	[tilespmem:$0x1EA00] =	vst v63  }
0x34: {  	v3 =	vld [tilespmem:$0x10];
	_ =	sdelay $0x4  }
0x35: {  	v53 =	vshrl.u32 v3, $0x3  }
0x36: {  	v4 =	vmul.u32 $0x30, v53  }
0x37: {  	v3 =	vand.u32 $0x7, v3  }
0x38: {  	v3 =	vor.u32 v3, v4  }
0x39: {  	v4 =	vperm.xlane v3, v0;
	_ =	sdelay $0x1  }
0x3a: {  	v4 =	vadd.s32 v1, v4;
	_ =	sdelay $0x3  }
0x3b: {  	s20 =	simm.s32 $0x3A00;
	v3 =	vperm.xlane v3, v2  }
0x3c: {  	[tilespmem:s20], [sflag:$0x1] =	stream.indirect_vreg.gather [hbm4b:s2+s3], $0x80, v4, vm0, $0xb8;
	[tilespmem:$0x1EA00] =	vst v63  }
0x3d: {  	s21 =	simm.s32 $0x4200;
	v3 =	vadd.s32 v1, v3  }
0x3e: {  	[tilespmem:s21], [sflag:$0x1] =	stream.indirect_vreg.gather [hbm4b:s5+s3], $0x80, v4, vm0, $0xb8;
	[tilespmem:$0x1EA00] =	vst v63  }
0x3f: {  	s22 =	simm.s32 $0x4A00  }
0x40: {  	[tilespmem:s22], [sflag:$0x1] =	stream.indirect_vreg.gather [hbm4b:s6+s3], $0x80, v4, vm0, $0xb8;
	[tilespmem:$0x1EA00] =	vst v63  }
0x41: {  	s23 =	simm.s32 $0x5200  }
0x42: {  	[tilespmem:s23], [sflag:$0x1] =	stream.indirect_vreg.gather [hbm4b:s2+s3], $0x80, v3, vm0, $0xb8;
	[tilespmem:$0x1EA00] =	vst v63  }
0x43: {  	s20 =	simm.s32 $0x5A00  }
0x44: {  	[tilespmem:s20], [sflag:$0x1] =	stream.indirect_vreg.gather [hbm4b:s5+s3], $0x80, v3, vm0, $0xb8;
	[tilespmem:$0x1EA00] =	vst v63  }
0x45: {  	s21 =	simm.s32 $0x6200  }
0x46: {  	[tilespmem:s21], [sflag:$0x1] =	stream.indirect_vreg.gather [hbm4b:s6+s3], $0x80, v3, vm0, $0xb8;
	[tilespmem:$0x1EA00] =	vst v63  }
0x47: {  	v3 =	vld.msk [tilespmem:$0x20], $0xff;
	_ =	sdelay $0x4  }
0x48: {  	v54 =	vshrl.u32 v3, $0x3  }
0x49: {  	v4 =	vmul.u32 $0x30, v54  }
0x4a: {  	v3 =	vand.u32 $0x7, v3  }
0x4b: {  	v3 =	vor.u32 v3, v4  }
0x4c: {  	v3 =	vperm.xlane v3, v0;
	_ =	sdelay $0x1  }
0x4d: {  	v3 =	vadd.s32 v1, v3;
	_ =	sdelay $0x3  }
0x4e: {  	s22 =	simm.s32 $0x6A00  }
0x4f: {  	[tilespmem:s22], [sflag:$0x1] =	stream.indirect_vreg.gather [hbm4b:s2+s3], $0x80, v3, vm0, $0xb8;
	[tilespmem:$0x1EA00] =	vst v63  }
0x50: {  	s23 =	simm.s32 $0x7200  }
0x51: {  	[tilespmem:s23], [sflag:$0x1] =	stream.indirect_vreg.gather [hbm4b:s5+s3], $0x80, v3, vm0, $0xb8;
	[tilespmem:$0x1EA00] =	vst v63  }
0x52: {  	s20 =	simm.s32 $0x7A00  }
0x53: {  	[tilespmem:s20], [sflag:$0x1] =	stream.indirect_vreg.gather [hbm4b:s6+s3], $0x80, v3, vm0, $0xb8;
	[tilespmem:$0x1EA00] =	vst v63  }
0x54: {  	v3 =	vld [tilespmem:$0x28];
	_ =	sdelay $0x4  }
0x55: {  	v55 =	vshrl.u32 v3, $0x3  }
0x56: {  	v4 =	vmul.u32 $0x30, v55  }
0x57: {  	v3 =	vand.u32 $0x7, v3  }
0x58: {  	v3 =	vor.u32 v3, v4  }
0x59: {  	v4 =	vperm.xlane v3, v0;
	_ =	sdelay $0x1  }
0x5a: {  	v4 =	vadd.s32 v1, v4;
	_ =	sdelay $0x3  }
0x5b: {  	s21 =	simm.s32 $0x8200;
	v3 =	vperm.xlane v3, v2  }
0x5c: {  	[tilespmem:s21], [sflag:$0x2] =	stream.indirect_vreg.gather [hbm4b:s2+s3], $0x80, v4, vm0, $0xb8;
	[tilespmem:$0x1EA00] =	vst v63  }
0x5d: {  	s22 =	simm.s32 $0x8A00;
	v3 =	vadd.s32 v1, v3  }
0x5e: {  	[tilespmem:s22], [sflag:$0x2] =	stream.indirect_vreg.gather [hbm4b:s5+s3], $0x80, v4, vm0, $0xb8;
	[tilespmem:$0x1EA00] =	vst v63  }
0x5f: {  	s23 =	simm.s32 $0x9200  }
0x60: {  	[tilespmem:s23], [sflag:$0x2] =	stream.indirect_vreg.gather [hbm4b:s6+s3], $0x80, v4, vm0, $0xb8;
	[tilespmem:$0x1EA00] =	vst v63  }
0x61: {  	s20 =	simm.s32 $0x9A00  }
0x62: {  	[tilespmem:s20], [sflag:$0x2] =	stream.indirect_vreg.gather [hbm4b:s2+s3], $0x80, v3, vm0, $0xb8;
	[tilespmem:$0x1EA00] =	vst v63  }
0x63: {  	s21 =	simm.s32 $0xA200  }
0x64: {  	[tilespmem:s21], [sflag:$0x2] =	stream.indirect_vreg.gather [hbm4b:s5+s3], $0x80, v3, vm0, $0xb8;
	[tilespmem:$0x1EA00] =	vst v63  }
0x65: {  	s22 =	simm.s32 $0xAA00  }
0x66: {  	[tilespmem:s22], [sflag:$0x2] =	stream.indirect_vreg.gather [hbm4b:s6+s3], $0x80, v3, vm0, $0xb8;
	[tilespmem:$0x1EA00] =	vst v63  }
0x67: {  	v3 =	vld [tilespmem:$0x38];
	_ =	sdelay $0x4  }
0x68: {  	v56 =	vshrl.u32 v3, $0x3  }
0x69: {  	v4 =	vmul.u32 $0x30, v56  }
0x6a: {  	v3 =	vand.u32 $0x7, v3  }
0x6b: {  	v3 =	vor.u32 v3, v4  }
0x6c: {  	v4 =	vperm.xlane v3, v0;
	_ =	sdelay $0x1  }
0x6d: {  	v4 =	vadd.s32 v1, v4;
	_ =	sdelay $0x3  }
0x6e: {  	s23 =	simm.s32 $0xB200;
	v3 =	vperm.xlane v3, v2  }
0x6f: {  	[tilespmem:s23], [sflag:$0x2] =	stream.indirect_vreg.gather [hbm4b:s2+s3], $0x80, v4, vm0, $0xb8;
	[tilespmem:$0x1EA00] =	vst v63  }
0x70: {  	s20 =	simm.s32 $0xBA00;
	v3 =	vadd.s32 v1, v3  }
0x71: {  	[tilespmem:s20], [sflag:$0x2] =	stream.indirect_vreg.gather [hbm4b:s5+s3], $0x80, v4, vm0, $0xb8;
	[tilespmem:$0x1EA00] =	vst v63  }
0x72: {  	s21 =	simm.s32 $0xC200  }
0x73: {  	[tilespmem:s21], [sflag:$0x2] =	stream.indirect_vreg.gather [hbm4b:s6+s3], $0x80, v4, vm0, $0xb8;
	[tilespmem:$0x1EA00] =	vst v63  }
0x74: {  	s22 =	simm.s32 $0xCA00  }
0x75: {  	[tilespmem:s22], [sflag:$0x2] =	stream.indirect_vreg.gather [hbm4b:s2+s3], $0x80, v3, vm0, $0xb8;
	[tilespmem:$0x1EA00] =	vst v63  }
0x76: {  	s23 =	simm.s32 $0xD200  }
0x77: {  	[tilespmem:s23], [sflag:$0x2] =	stream.indirect_vreg.gather [hbm4b:s5+s3], $0x80, v3, vm0, $0xb8;
	[tilespmem:$0x1EA00] =	vst v63  }
0x78: {  	s20 =	simm.s32 $0xDA00  }
0x79: {  	[tilespmem:s20], [sflag:$0x2] =	stream.indirect_vreg.gather [hbm4b:s6+s3], $0x80, v3, vm0, $0xb8;
	[tilespmem:$0x1EA00] =	vst v63  }
0x7a: {  	v3 =	vld.msk [tilespmem:$0x48], $0xff;
	_ =	sdelay $0x4  }
0x7b: {  	v57 =	vshrl.u32 v3, $0x3  }
0x7c: {  	v4 =	vmul.u32 $0x30, v57  }
0x7d: {  	v3 =	vand.u32 $0x7, v3  }
0x7e: {  	v3 =	vor.u32 v3, v4  }
0x7f: {  	v3 =	vperm.xlane v3, v0;
	_ =	sdelay $0x1  }
0x80: {  	v3 =	vadd.s32 v1, v3;
	_ =	sdelay $0x3  }
0x81: {  	s21 =	simm.s32 $0xE200  }
0x82: {  	[tilespmem:s21], [sflag:$0x2] =	stream.indirect_vreg.gather [hbm4b:s2+s3], $0x80, v3, vm0, $0xb8;
	[tilespmem:$0x1EA00] =	vst v63  }
0x83: {  	s22 =	simm.s32 $0xEA00  }
0x84: {  	[tilespmem:s22], [sflag:$0x2] =	stream.indirect_vreg.gather [hbm4b:s5+s3], $0x80, v3, vm0, $0xb8;
	[tilespmem:$0x1EA00] =	vst v63  }
0x85: {  	s23 =	simm.s32 $0xF200  }
0x86: {  	[tilespmem:s23], [sflag:$0x2] =	stream.indirect_vreg.gather [hbm4b:s6+s3], $0x80, v3, vm0, $0xb8;
	[tilespmem:$0x1EA00] =	vst v63  }
0x87: {  	v3 =	vld [tilespmem:$0x50];
	_ =	sdelay $0x4  }
0x88: {  	v58 =	vshrl.u32 v3, $0x3  }
0x89: {  	v4 =	vmul.u32 $0x30, v58  }
0x8a: {  	v3 =	vand.u32 $0x7, v3  }
0x8b: {  	v3 =	vor.u32 v3, v4  }
0x8c: {  	v4 =	vperm.xlane v3, v0;
	_ =	sdelay $0x1  }
0x8d: {  	v4 =	vadd.s32 v1, v4;
	_ =	sdelay $0x3  }
0x8e: {  	s20 =	simm.s32 $0xFA00;
	v3 =	vperm.xlane v3, v2  }
0x8f: {  	[tilespmem:s20], [sflag:$0x3] =	stream.indirect_vreg.gather [hbm4b:s2+s3], $0x80, v4, vm0, $0xb8;
	[tilespmem:$0x1EA00] =	vst v63  }
0x90: {  	s21 =	simm.s32 $0x10200;
	v3 =	vadd.s32 v1, v3  }
0x91: {  	[tilespmem:s21], [sflag:$0x3] =	stream.indirect_vreg.gather [hbm4b:s5+s3], $0x80, v4, vm0, $0xb8;
	[tilespmem:$0x1EA00] =	vst v63  }
0x92: {  	s22 =	simm.s32 $0x10A00  }
0x93: {  	[tilespmem:s22], [sflag:$0x3] =	stream.indirect_vreg.gather [hbm4b:s6+s3], $0x80, v4, vm0, $0xb8;
	[tilespmem:$0x1EA00] =	vst v63  }
0x94: {  	s23 =	simm.s32 $0x11200  }
0x95: {  	[tilespmem:s23], [sflag:$0x3] =	stream.indirect_vreg.gather [hbm4b:s2+s3], $0x80, v3, vm0, $0xb8;
	[tilespmem:$0x1EA00] =	vst v63  }
0x96: {  	s20 =	simm.s32 $0x11A00  }
0x97: {  	[tilespmem:s20], [sflag:$0x3] =	stream.indirect_vreg.gather [hbm4b:s5+s3], $0x80, v3, vm0, $0xb8;
	[tilespmem:$0x1EA00] =	vst v63  }
0x98: {  	s21 =	simm.s32 $0x12200  }
0x99: {  	[tilespmem:s21], [sflag:$0x3] =	stream.indirect_vreg.gather [hbm4b:s6+s3], $0x80, v3, vm0, $0xb8;
	[tilespmem:$0x1EA00] =	vst v63  }
0x9a: {  	v3 =	vld [tilespmem:$0x60];
	_ =	sdelay $0x4  }
0x9b: {  	v59 =	vshrl.u32 v3, $0x3  }
0x9c: {  	v4 =	vmul.u32 $0x30, v59  }
0x9d: {  	v3 =	vand.u32 $0x7, v3  }
0x9e: {  	v3 =	vor.u32 v3, v4  }
0x9f: {  	v4 =	vperm.xlane v3, v0;
	_ =	sdelay $0x1  }
0xa0: {  	v4 =	vadd.s32 v1, v4;
	_ =	sdelay $0x3  }
0xa1: {  	s22 =	simm.s32 $0x12A00;
	v3 =	vperm.xlane v3, v2  }
0xa2: {  	[tilespmem:s22], [sflag:$0x3] =	stream.indirect_vreg.gather [hbm4b:s2+s3], $0x80, v4, vm0, $0xb8;
	[tilespmem:$0x1EA00] =	vst v63  }
0xa3: {  	s23 =	simm.s32 $0x13200;
	v3 =	vadd.s32 v1, v3  }
0xa4: {  	[tilespmem:s23], [sflag:$0x3] =	stream.indirect_vreg.gather [hbm4b:s5+s3], $0x80, v4, vm0, $0xb8;
	[tilespmem:$0x1EA00] =	vst v63  }
0xa5: {  	s20 =	simm.s32 $0x13A00  }
0xa6: {  	[tilespmem:s20], [sflag:$0x3] =	stream.indirect_vreg.gather [hbm4b:s6+s3], $0x80, v4, vm0, $0xb8;
	[tilespmem:$0x1EA00] =	vst v63  }
0xa7: {  	s21 =	simm.s32 $0x14200  }
0xa8: {  	[tilespmem:s21], [sflag:$0x3] =	stream.indirect_vreg.gather [hbm4b:s2+s3], $0x80, v3, vm0, $0xb8;
	[tilespmem:$0x1EA00] =	vst v63  }
0xa9: {  	s22 =	simm.s32 $0x14A00  }
0xaa: {  	[tilespmem:s22], [sflag:$0x3] =	stream.indirect_vreg.gather [hbm4b:s5+s3], $0x80, v3, vm0, $0xb8;
	[tilespmem:$0x1EA00] =	vst v63  }
0xab: {  	s23 =	simm.s32 $0x15200  }
0xac: {  	[tilespmem:s23], [sflag:$0x3] =	stream.indirect_vreg.gather [hbm4b:s6+s3], $0x80, v3, vm0, $0xb8;
	[tilespmem:$0x1EA00] =	vst v63  }
0xad: {  	v3 =	vld.msk [tilespmem:$0x70], $0xff;
	_ =	sdelay $0x4  }
0xae: {  	v60 =	vshrl.u32 v3, $0x3  }
0xaf: {  	v4 =	vmul.u32 $0x30, v60  }
0xb0: {  	v3 =	vand.u32 $0x7, v3  }
0xb1: {  	v3 =	vor.u32 v3, v4  }
0xb2: {  	v3 =	vperm.xlane v3, v0;
	_ =	sdelay $0x1  }
0xb3: {  	v3 =	vadd.s32 v1, v3;
	_ =	sdelay $0x3  }
0xb4: {  	s20 =	simm.s32 $0x15A00  }
0xb5: {  	[tilespmem:s20], [sflag:$0x3] =	stream.indirect_vreg.gather [hbm4b:s2+s3], $0x80, v3, vm0, $0xb8;
	[tilespmem:$0x1EA00] =	vst v63  }
0xb6: {  	s21 =	simm.s32 $0x16200  }
0xb7: {  	[tilespmem:s21], [sflag:$0x3] =	stream.indirect_vreg.gather [hbm4b:s5+s3], $0x80, v3, vm0, $0xb8;
	[tilespmem:$0x1EA00] =	vst v63  }
0xb8: {  	s22 =	simm.s32 $0x16A00  }
0xb9: {  	[tilespmem:s22], [sflag:$0x3] =	stream.indirect_vreg.gather [hbm4b:s6+s3], $0x80, v3, vm0, $0xb8;
	[tilespmem:$0x1EA00] =	vst v63  }
0xba: {  	v3 =	vld [tilespmem:$0x78];
	_ =	sdelay $0x4  }
0xbb: {  	v61 =	vshrl.u32 v3, $0x3  }
0xbc: {  	v4 =	vmul.u32 $0x30, v61  }
0xbd: {  	v3 =	vand.u32 $0x7, v3  }
0xbe: {  	v3 =	vor.u32 v3, v4  }
0xbf: {  	v4 =	vperm.xlane v3, v0;
	_ =	sdelay $0x1  }
0xc0: {  	v4 =	vadd.s32 v1, v4;
	_ =	sdelay $0x3  }
0xc1: {  	v3 =	vperm.xlane v3, v2  }
0xc2: {  	[tilespmem:s18], [sflag:$0x4] =	stream.indirect_vreg.gather [hbm4b:s2+s3], $0x80, v4, vm0, $0xb8;
	[tilespmem:$0x1EA00] =	vst v63  }
0xc3: {  	s23 =	simm.s32 $0x17A00;
	v3 =	vadd.s32 v1, v3  }
0xc4: {  	[tilespmem:s23], [sflag:$0x4] =	stream.indirect_vreg.gather [hbm4b:s5+s3], $0x80, v4, vm0, $0xb8;
	[tilespmem:$0x1EA00] =	vst v63  }
0xc5: {  	s20 =	simm.s32 $0x18200  }
0xc6: {  	[tilespmem:s20], [sflag:$0x4] =	stream.indirect_vreg.gather [hbm4b:s6+s3], $0x80, v4, vm0, $0xb8;
	[tilespmem:$0x1EA00] =	vst v63  }
0xc7: {  	s21 =	simm.s32 $0x18A00  }
0xc8: {  	[tilespmem:s21], [sflag:$0x4] =	stream.indirect_vreg.gather [hbm4b:s2+s3], $0x80, v3, vm0, $0xb8;
	[tilespmem:$0x1EA00] =	vst v63  }
0xc9: {  	s22 =	simm.s32 $0x19200  }
0xca: {  	[tilespmem:s22], [sflag:$0x4] =	stream.indirect_vreg.gather [hbm4b:s5+s3], $0x80, v3, vm0, $0xb8;
	[tilespmem:$0x1EA00] =	vst v63  }
0xcb: {  	s23 =	simm.s32 $0x19A00  }
0xcc: {  	[tilespmem:s23], [sflag:$0x4] =	stream.indirect_vreg.gather [hbm4b:s6+s3], $0x80, v3, vm0, $0xb8;
	[tilespmem:$0x1EA00] =	vst v63  }
0xcd: {  	v3 =	vld [tilespmem:$0x88];
	_ =	sdelay $0x4  }
0xce: {  	v62 =	vshrl.u32 v3, $0x3  }
0xcf: {  	v4 =	vmul.u32 $0x30, v62  }
0xd0: {  	v3 =	vand.u32 $0x7, v3  }
0xd1: {  	v3 =	vor.u32 v3, v4  }
0xd2: {  	v4 =	vperm.xlane v3, v0;
	_ =	sdelay $0x1  }
0xd3: {  	v4 =	vadd.s32 v1, v4;
	_ =	sdelay $0x3  }
0xd4: {  	v3 =	vperm.xlane v3, v2  }
0xd5: {  	[tilespmem:s25], [sflag:$0x4] =	stream.indirect_vreg.gather [hbm4b:s2+s3], $0x80, v4, vm0, $0xb8;
	[tilespmem:$0x1EA00] =	vst v63  }
0xd6: {  	v3 =	vadd.s32 v1, v3  }
0xd7: {  	[tilespmem:s26], [sflag:$0x4] =	stream.indirect_vreg.gather [hbm4b:s5+s3], $0x80, v4, vm0, $0xb8;
	[tilespmem:$0x1EA00] =	vst v63  }
0xd8: {  	_ = 	snop  }
0xd9: {  	[tilespmem:s29], [sflag:$0x4] =	stream.indirect_vreg.gather [hbm4b:s6+s3], $0x80, v4, vm0, $0xb8;
	[tilespmem:$0x1EA00] =	vst v63  }
0xda: {  	_ = 	snop  }
0xdb: {  	[tilespmem:s30], [sflag:$0x4] =	stream.indirect_vreg.gather [hbm4b:s2+s3], $0x80, v3, vm0, $0xb8;
	[tilespmem:$0x1EA00] =	vst v63  }
0xdc: {  	_ = 	snop  }
0xdd: {  	[tilespmem:s31], [sflag:$0x4] =	stream.indirect_vreg.gather [hbm4b:s5+s3], $0x80, v3, vm0, $0xb8;
	[tilespmem:$0x1EA00] =	vst v63  }
0xde: {  	_ = 	snop  }
0xdf: {  	[tilespmem:s0], [sflag:$0x4] =	stream.indirect_vreg.gather [hbm4b:s6+s3], $0x80, v3, vm0, $0xb8;
	[tilespmem:$0x1EA00] =	vst v63  }
0xe0: {  	v3 =	vld.msk [tilespmem:$0x98], $0xff;
	_ =	sdelay $0x4  }
0xe1: {  	v63 =	vshrl.u32 v3, $0x3  }
0xe2: {  	v4 =	vmul.u32 $0x30, v63  }
0xe3: {  	v3 =	vand.u32 $0x7, v3  }
0xe4: {  	v3 =	vor.u32 v3, v4  }
0xe5: {  	v3 =	vperm.xlane v3, v0;
	_ =	sdelay $0x1  }
0xe6: {  	v3 =	vadd.s32 v1, v3;
	_ =	sdelay $0x4  }
0xe7: {  	[tilespmem:s1], [sflag:$0x4] =	stream.indirect_vreg.gather [hbm4b:s2+s3], $0x80, v3, vm0, $0xb8;
	[tilespmem:$0x1EA00] =	vst v63  }
0xe8: {  	_ = 	snop  }
0xe9: {  	[tilespmem:s13], [sflag:$0x4] =	stream.indirect_vreg.gather [hbm4b:s5+s3], $0x80, v3, vm0, $0xb8;
	[tilespmem:$0x1EA00] =	vst v63  }
0xea: {  	s19 =	simm.s32 $0x0;
	s22 =	simm.s32 $0x138  }
0xeb: {  	[tilespmem:s14], [sflag:$0x4] =	stream.indirect_vreg.gather [hbm4b:s6+s3], $0x80, v3, vm0, $0xb8;
	[tilespmem:$0x1EA00] =	vst v63  }
.LBB2_2:
0xec: {  	_ =	swait.ge [sflag:s15], $0x7800  }
0xed: {  	[sflag:s15] =	ssyncset.done $0x0  }
0xee: {  	s21 =	sadd.s32 s19, s8;
	s20 =	simm.s32 $0xA00;
	[sflag:s15] =	ssyncadd.s32 $0xFFFF8800  }
0xef: {  	[hbm4b:s21+s3] =	stream.linear.scatter [tilespmem:s20], [sflag:$0x5], $0x7800, $0x38;
	[tilespmem:$0x1EA00] =	vst v63  }
0xf0: {  	_ =	swait.ge [sflag:s16], $0x7800  }
0xf1: {  	[sflag:s16] =	ssyncset.done $0x0  }
0xf2: {  	p0 =	seq.s32 s19, $0x38400;
	[sflag:s16] =	ssyncadd.s32 $0xFFFF8800  }
0xf3: {  	v3 =	vld @!p0 [tilespmem:s22+$0xFFFFFF68];
	_ =	sdelay $0x4  }
0xf4: {  	v4 =	vshrl.u32 @!p0 v3, $0x3  }
0xf5: {  	v4 =	vmul.u32 @!p0 $0x30, v4  }
0xf6: {  	v5 =	vlaneseq.u32 @!p0;
	v3 =	vand.u32 @!p0 $0x7, v3  }
0xf7: {  	v6 =	vor.u32 @!p0 v3, v4;
	v3 =	vand.u32 @!p0 $0x7, v5;
	v4 =	vshrl.u32 @!p0 v5, $0x3  }
0xf8: {  	v7 =	vperm.xlane @!p0 v6, v3;
	v4 =	vmul.u32 @!p0 $0x8, v4;
	_ =	sdelay $0x1  }
0xf9: {  	v7 =	vadd.s32 @!p0 v4, v7;
	_ =	sdelay $0x2  }
0xfa: {  	v5 =	vor.u32 @!p0 $0x8, v5  }
0xfb: {  	vm1 =	vmmov @!p0 $0xffff;
	s23 =	simm.s32 @!p0 $0xA00;
	s20 =	simm.s32 @!p0 $0x0;
	v6 =	vperm.xlane @!p0 v6, v5  }
0xfc: {  	[tilespmem:s23], [sflag:$0x1] =	stream.indirect_vreg.gather @!p0 [hbm4b:s2+s20], $0x80, v7, vm1, $0xb8;
	[tilespmem:$0x1EA00] =	vst v63  }
0xfd: {  	v6 =	vadd.s32 @!p0 v4, v6;
	s23 =	simm.s32 @!p0 $0x1200  }
0xfe: {  	[tilespmem:s23], [sflag:$0x1] =	stream.indirect_vreg.gather @!p0 [hbm4b:s5+s20], $0x80, v7, vm1, $0xb8;
	[tilespmem:$0x1EA00] =	vst v63  }
0xff: {  	s23 =	simm.s32 @!p0 $0x1A00  }
0x100: {  	[tilespmem:s23], [sflag:$0x1] =	stream.indirect_vreg.gather @!p0 [hbm4b:s6+s20], $0x80, v7, vm1, $0xb8;
	[tilespmem:$0x1EA00] =	vst v63  }
0x101: {  	s23 =	simm.s32 @!p0 $0x2200  }
0x102: {  	[tilespmem:s23], [sflag:$0x1] =	stream.indirect_vreg.gather @!p0 [hbm4b:s2+s20], $0x80, v6, vm1, $0xb8;
	[tilespmem:$0x1EA00] =	vst v63  }
0x103: {  	s23 =	simm.s32 @!p0 $0x2A00  }
0x104: {  	[tilespmem:s23], [sflag:$0x1] =	stream.indirect_vreg.gather @!p0 [hbm4b:s5+s20], $0x80, v6, vm1, $0xb8;
	[tilespmem:$0x1EA00] =	vst v63  }
0x105: {  	s23 =	simm.s32 @!p0 $0x3200  }
0x106: {  	[tilespmem:s23], [sflag:$0x1] =	stream.indirect_vreg.gather @!p0 [hbm4b:s6+s20], $0x80, v6, vm1, $0xb8;
	[tilespmem:$0x1EA00] =	vst v63  }
0x107: {  	v6 =	vld @!p0 [tilespmem:s22+$0xFFFFFF78];
	_ =	sdelay $0x4  }
0x108: {  	v7 =	vshrl.u32 @!p0 v6, $0x3  }
0x109: {  	v7 =	vmul.u32 @!p0 $0x30, v7  }
0x10a: {  	v6 =	vand.u32 @!p0 $0x7, v6  }
0x10b: {  	v6 =	vor.u32 @!p0 v6, v7  }
0x10c: {  	v7 =	vperm.xlane @!p0 v6, v3;
	_ =	sdelay $0x1  }
0x10d: {  	v7 =	vadd.s32 @!p0 v4, v7;
	_ =	sdelay $0x3  }
0x10e: {  	s23 =	simm.s32 @!p0 $0x3A00;
	v6 =	vperm.xlane @!p0 v6, v5  }
0x10f: {  	[tilespmem:s23], [sflag:$0x1] =	stream.indirect_vreg.gather @!p0 [hbm4b:s2+s20], $0x80, v7, vm1, $0xb8;
	[tilespmem:$0x1EA00] =	vst v63  }
0x110: {  	v6 =	vadd.s32 @!p0 v4, v6;
	s23 =	simm.s32 @!p0 $0x4200  }
0x111: {  	[tilespmem:s23], [sflag:$0x1] =	stream.indirect_vreg.gather @!p0 [hbm4b:s5+s20], $0x80, v7, vm1, $0xb8;
	[tilespmem:$0x1EA00] =	vst v63  }
0x112: {  	s23 =	simm.s32 @!p0 $0x4A00  }
0x113: {  	[tilespmem:s23], [sflag:$0x1] =	stream.indirect_vreg.gather @!p0 [hbm4b:s6+s20], $0x80, v7, vm1, $0xb8;
	[tilespmem:$0x1EA00] =	vst v63  }
0x114: {  	s23 =	simm.s32 @!p0 $0x5200  }
0x115: {  	[tilespmem:s23], [sflag:$0x1] =	stream.indirect_vreg.gather @!p0 [hbm4b:s2+s20], $0x80, v6, vm1, $0xb8;
	[tilespmem:$0x1EA00] =	vst v63  }
0x116: {  	s23 =	simm.s32 @!p0 $0x5A00  }
0x117: {  	[tilespmem:s23], [sflag:$0x1] =	stream.indirect_vreg.gather @!p0 [hbm4b:s5+s20], $0x80, v6, vm1, $0xb8;
	[tilespmem:$0x1EA00] =	vst v63  }
0x118: {  	s23 =	simm.s32 @!p0 $0x6200  }
0x119: {  	[tilespmem:s23], [sflag:$0x1] =	stream.indirect_vreg.gather @!p0 [hbm4b:s6+s20], $0x80, v6, vm1, $0xb8;
	[tilespmem:$0x1EA00] =	vst v63  }
0x11a: {  	v6 =	vld.msk @!p0 [tilespmem:s22+$0xFFFFFF88], $0xff;
	_ =	sdelay $0x4  }
0x11b: {  	v7 =	vshrl.u32 @!p0 v6, $0x3  }
0x11c: {  	v7 =	vmul.u32 @!p0 $0x30, v7  }
0x11d: {  	v6 =	vand.u32 @!p0 $0x7, v6  }
0x11e: {  	v6 =	vor.u32 @!p0 v6, v7  }
0x11f: {  	v6 =	vperm.xlane @!p0 v6, v3;
	_ =	sdelay $0x1  }
0x120: {  	v6 =	vadd.s32 @!p0 v4, v6;
	_ =	sdelay $0x3  }
0x121: {  	s23 =	simm.s32 @!p0 $0x6A00  }
0x122: {  	[tilespmem:s23], [sflag:$0x1] =	stream.indirect_vreg.gather @!p0 [hbm4b:s2+s20], $0x80, v6, vm1, $0xb8;
	[tilespmem:$0x1EA00] =	vst v63  }
0x123: {  	s23 =	simm.s32 @!p0 $0x7200  }
0x124: {  	[tilespmem:s23], [sflag:$0x1] =	stream.indirect_vreg.gather @!p0 [hbm4b:s5+s20], $0x80, v6, vm1, $0xb8;
	[tilespmem:$0x1EA00] =	vst v63  }
0x125: {  	s23 =	simm.s32 @!p0 $0x7A00  }
0x126: {  	[tilespmem:s23], [sflag:$0x1] =	stream.indirect_vreg.gather @!p0 [hbm4b:s6+s20], $0x80, v6, vm1, $0xb8;
	[tilespmem:$0x1EA00] =	vst v63  }
0x127: {  	_ =	swait.ge [sflag:s17], $0x7800  }
0x128: {  	[sflag:s17] =	ssyncset.done $0x0  }
0x129: {  	s23 =	sadd.s32 s19, s9;
	[sflag:s17] =	ssyncadd.s32 $0xFFFF8800  }
0x12a: {  	[hbm4b:s23+s3] =	stream.linear.scatter [tilespmem:s24], [sflag:$0x6], $0x7800, $0x38;
	[tilespmem:$0x1EA00] =	vst v63  }
0x12b: {  	_ =	swait.ge [sflag:s4], $0x7800  }
0x12c: {  	[sflag:s4] =	ssyncset.done $0x0  }
0x12d: {  	[sflag:s4] =	ssyncadd.s32 $0xFFFF8800  }
0x12e: {  	v6 =	vld @!p0 [tilespmem:s22+$0xFFFFFF90];
	_ =	sdelay $0x4  }
0x12f: {  	v7 =	vshrl.u32 @!p0 v6, $0x3  }
0x130: {  	v7 =	vmul.u32 @!p0 $0x30, v7  }
0x131: {  	v6 =	vand.u32 @!p0 $0x7, v6  }
0x132: {  	v6 =	vor.u32 @!p0 v6, v7  }
0x133: {  	v7 =	vperm.xlane @!p0 v6, v3;
	_ =	sdelay $0x1  }
0x134: {  	v7 =	vadd.s32 @!p0 v4, v7;
	_ =	sdelay $0x3  }
0x135: {  	s23 =	simm.s32 @!p0 $0x8200;
	v6 =	vperm.xlane @!p0 v6, v5  }
0x136: {  	[tilespmem:s23], [sflag:$0x2] =	stream.indirect_vreg.gather @!p0 [hbm4b:s2+s20], $0x80, v7, vm1, $0xb8;
	[tilespmem:$0x1EA00] =	vst v63  }
0x137: {  	v6 =	vadd.s32 @!p0 v4, v6;
	s23 =	simm.s32 @!p0 $0x8A00  }
0x138: {  	[tilespmem:s23], [sflag:$0x2] =	stream.indirect_vreg.gather @!p0 [hbm4b:s5+s20], $0x80, v7, vm1, $0xb8;
	[tilespmem:$0x1EA00] =	vst v63  }
0x139: {  	s23 =	simm.s32 @!p0 $0x9200  }
0x13a: {  	[tilespmem:s23], [sflag:$0x2] =	stream.indirect_vreg.gather @!p0 [hbm4b:s6+s20], $0x80, v7, vm1, $0xb8;
	[tilespmem:$0x1EA00] =	vst v63  }
0x13b: {  	s23 =	simm.s32 @!p0 $0x9A00  }
0x13c: {  	[tilespmem:s23], [sflag:$0x2] =	stream.indirect_vreg.gather @!p0 [hbm4b:s2+s20], $0x80, v6, vm1, $0xb8;
	[tilespmem:$0x1EA00] =	vst v63  }
0x13d: {  	s23 =	simm.s32 @!p0 $0xA200  }
0x13e: {  	[tilespmem:s23], [sflag:$0x2] =	stream.indirect_vreg.gather @!p0 [hbm4b:s5+s20], $0x80, v6, vm1, $0xb8;
	[tilespmem:$0x1EA00] =	vst v63  }
0x13f: {  	s23 =	simm.s32 @!p0 $0xAA00  }
0x140: {  	[tilespmem:s23], [sflag:$0x2] =	stream.indirect_vreg.gather @!p0 [hbm4b:s6+s20], $0x80, v6, vm1, $0xb8;
	[tilespmem:$0x1EA00] =	vst v63  }
0x141: {  	v6 =	vld @!p0 [tilespmem:s22+$0xFFFFFFA0];
	_ =	sdelay $0x4  }
0x142: {  	v7 =	vshrl.u32 @!p0 v6, $0x3  }
0x143: {  	v7 =	vmul.u32 @!p0 $0x30, v7  }
0x144: {  	v6 =	vand.u32 @!p0 $0x7, v6  }
0x145: {  	v6 =	vor.u32 @!p0 v6, v7  }
0x146: {  	v7 =	vperm.xlane @!p0 v6, v3;
	_ =	sdelay $0x1  }
0x147: {  	v7 =	vadd.s32 @!p0 v4, v7;
	_ =	sdelay $0x3  }
0x148: {  	s23 =	simm.s32 @!p0 $0xB200;
	v6 =	vperm.xlane @!p0 v6, v5  }
0x149: {  	[tilespmem:s23], [sflag:$0x2] =	stream.indirect_vreg.gather @!p0 [hbm4b:s2+s20], $0x80, v7, vm1, $0xb8;
	[tilespmem:$0x1EA00] =	vst v63  }
0x14a: {  	v6 =	vadd.s32 @!p0 v4, v6;
	s23 =	simm.s32 @!p0 $0xBA00  }
0x14b: {  	[tilespmem:s23], [sflag:$0x2] =	stream.indirect_vreg.gather @!p0 [hbm4b:s5+s20], $0x80, v7, vm1, $0xb8;
	[tilespmem:$0x1EA00] =	vst v63  }
0x14c: {  	s23 =	simm.s32 @!p0 $0xC200  }
0x14d: {  	[tilespmem:s23], [sflag:$0x2] =	stream.indirect_vreg.gather @!p0 [hbm4b:s6+s20], $0x80, v7, vm1, $0xb8;
	[tilespmem:$0x1EA00] =	vst v63  }
0x14e: {  	s23 =	simm.s32 @!p0 $0xCA00  }
0x14f: {  	[tilespmem:s23], [sflag:$0x2] =	stream.indirect_vreg.gather @!p0 [hbm4b:s2+s20], $0x80, v6, vm1, $0xb8;
	[tilespmem:$0x1EA00] =	vst v63  }
0x150: {  	s23 =	simm.s32 @!p0 $0xD200  }
0x151: {  	[tilespmem:s23], [sflag:$0x2] =	stream.indirect_vreg.gather @!p0 [hbm4b:s5+s20], $0x80, v6, vm1, $0xb8;
	[tilespmem:$0x1EA00] =	vst v63  }
0x152: {  	s23 =	simm.s32 @!p0 $0xDA00  }
0x153: {  	[tilespmem:s23], [sflag:$0x2] =	stream.indirect_vreg.gather @!p0 [hbm4b:s6+s20], $0x80, v6, vm1, $0xb8;
	[tilespmem:$0x1EA00] =	vst v63  }
0x154: {  	v6 =	vld.msk @!p0 [tilespmem:s22+$0xFFFFFFB0], $0xff;
	_ =	sdelay $0x4  }
0x155: {  	v7 =	vshrl.u32 @!p0 v6, $0x3  }
0x156: {  	v7 =	vmul.u32 @!p0 $0x30, v7  }
0x157: {  	v6 =	vand.u32 @!p0 $0x7, v6  }
0x158: {  	v6 =	vor.u32 @!p0 v6, v7  }
0x159: {  	v6 =	vperm.xlane @!p0 v6, v3;
	_ =	sdelay $0x1  }
0x15a: {  	v6 =	vadd.s32 @!p0 v4, v6;
	_ =	sdelay $0x3  }
0x15b: {  	s23 =	simm.s32 @!p0 $0xE200  }
0x15c: {  	[tilespmem:s23], [sflag:$0x2] =	stream.indirect_vreg.gather @!p0 [hbm4b:s2+s20], $0x80, v6, vm1, $0xb8;
	[tilespmem:$0x1EA00] =	vst v63  }
0x15d: {  	s23 =	simm.s32 @!p0 $0xEA00  }
0x15e: {  	[tilespmem:s23], [sflag:$0x2] =	stream.indirect_vreg.gather @!p0 [hbm4b:s5+s20], $0x80, v6, vm1, $0xb8;
	[tilespmem:$0x1EA00] =	vst v63  }
0x15f: {  	s23 =	simm.s32 @!p0 $0xF200  }
0x160: {  	[tilespmem:s23], [sflag:$0x2] =	stream.indirect_vreg.gather @!p0 [hbm4b:s6+s20], $0x80, v6, vm1, $0xb8;
	[tilespmem:$0x1EA00] =	vst v63  }
0x161: {  	_ =	swait.ge [sflag:s7], $0x7800  }
0x162: {  	[sflag:s7] =	ssyncset.done $0x0  }
0x163: {  	s21 =	sadd.s32 $0x1E00, s21;
	s23 =	simm.s32 $0xFA00;
	[sflag:s7] =	ssyncadd.s32 $0xFFFF8800  }
0x164: {  	[hbm4b:s21+s3] =	stream.linear.scatter [tilespmem:s23], [sflag:$0x7], $0x7800, $0x38;
	[tilespmem:$0x1EA00] =	vst v63  }
0x165: {  	_ =	swait.ge [sflag:s11], $0x7800  }
0x166: {  	[sflag:s11] =	ssyncset.done $0x0  }
0x167: {  	[sflag:s11] =	ssyncadd.s32 $0xFFFF8800  }
0x168: {  	v6 =	vld @!p0 [tilespmem:s22+$0xFFFFFFB8];
	_ =	sdelay $0x4  }
0x169: {  	v7 =	vshrl.u32 @!p0 v6, $0x3  }
0x16a: {  	v7 =	vmul.u32 @!p0 $0x30, v7  }
0x16b: {  	v6 =	vand.u32 @!p0 $0x7, v6  }
0x16c: {  	v6 =	vor.u32 @!p0 v6, v7  }
0x16d: {  	v7 =	vperm.xlane @!p0 v6, v3;
	_ =	sdelay $0x1  }
0x16e: {  	v7 =	vadd.s32 @!p0 v4, v7;
	_ =	sdelay $0x3  }
0x16f: {  	s21 =	simm.s32 @!p0 $0xFA00;
	v6 =	vperm.xlane @!p0 v6, v5  }
0x170: {  	[tilespmem:s21], [sflag:$0x3] =	stream.indirect_vreg.gather @!p0 [hbm4b:s2+s20], $0x80, v7, vm1, $0xb8;
	[tilespmem:$0x1EA00] =	vst v63  }
0x171: {  	v6 =	vadd.s32 @!p0 v4, v6;
	s21 =	simm.s32 @!p0 $0x10200  }
0x172: {  	[tilespmem:s21], [sflag:$0x3] =	stream.indirect_vreg.gather @!p0 [hbm4b:s5+s20], $0x80, v7, vm1, $0xb8;
	[tilespmem:$0x1EA00] =	vst v63  }
0x173: {  	s21 =	simm.s32 @!p0 $0x10A00  }
0x174: {  	[tilespmem:s21], [sflag:$0x3] =	stream.indirect_vreg.gather @!p0 [hbm4b:s6+s20], $0x80, v7, vm1, $0xb8;
	[tilespmem:$0x1EA00] =	vst v63  }
0x175: {  	s21 =	simm.s32 @!p0 $0x11200  }
0x176: {  	[tilespmem:s21], [sflag:$0x3] =	stream.indirect_vreg.gather @!p0 [hbm4b:s2+s20], $0x80, v6, vm1, $0xb8;
	[tilespmem:$0x1EA00] =	vst v63  }
0x177: {  	s21 =	simm.s32 @!p0 $0x11A00  }
0x178: {  	[tilespmem:s21], [sflag:$0x3] =	stream.indirect_vreg.gather @!p0 [hbm4b:s5+s20], $0x80, v6, vm1, $0xb8;
	[tilespmem:$0x1EA00] =	vst v63  }
0x179: {  	s21 =	simm.s32 @!p0 $0x12200  }
0x17a: {  	[tilespmem:s21], [sflag:$0x3] =	stream.indirect_vreg.gather @!p0 [hbm4b:s6+s20], $0x80, v6, vm1, $0xb8;
	[tilespmem:$0x1EA00] =	vst v63  }
0x17b: {  	v6 =	vld @!p0 [tilespmem:s22+$0xFFFFFFC8];
	_ =	sdelay $0x4  }
0x17c: {  	v7 =	vshrl.u32 @!p0 v6, $0x3  }
0x17d: {  	v7 =	vmul.u32 @!p0 $0x30, v7  }
0x17e: {  	v6 =	vand.u32 @!p0 $0x7, v6  }
0x17f: {  	v6 =	vor.u32 @!p0 v6, v7  }
0x180: {  	v7 =	vperm.xlane @!p0 v6, v3;
	_ =	sdelay $0x1  }
0x181: {  	v7 =	vadd.s32 @!p0 v4, v7;
	_ =	sdelay $0x3  }
0x182: {  	s21 =	simm.s32 @!p0 $0x12A00;
	v5 =	vperm.xlane @!p0 v6, v5  }
0x183: {  	[tilespmem:s21], [sflag:$0x3] =	stream.indirect_vreg.gather @!p0 [hbm4b:s2+s20], $0x80, v7, vm1, $0xb8;
	[tilespmem:$0x1EA00] =	vst v63  }
0x184: {  	v5 =	vadd.s32 @!p0 v4, v5;
	s21 =	simm.s32 @!p0 $0x13200  }
0x185: {  	[tilespmem:s21], [sflag:$0x3] =	stream.indirect_vreg.gather @!p0 [hbm4b:s5+s20], $0x80, v7, vm1, $0xb8;
	[tilespmem:$0x1EA00] =	vst v63  }
0x186: {  	s21 =	simm.s32 @!p0 $0x13A00  }
0x187: {  	[tilespmem:s21], [sflag:$0x3] =	stream.indirect_vreg.gather @!p0 [hbm4b:s6+s20], $0x80, v7, vm1, $0xb8;
	[tilespmem:$0x1EA00] =	vst v63  }
0x188: {  	s21 =	simm.s32 @!p0 $0x14200  }
0x189: {  	[tilespmem:s21], [sflag:$0x3] =	stream.indirect_vreg.gather @!p0 [hbm4b:s2+s20], $0x80, v5, vm1, $0xb8;
	[tilespmem:$0x1EA00] =	vst v63  }
0x18a: {  	s21 =	simm.s32 @!p0 $0x14A00  }
0x18b: {  	[tilespmem:s21], [sflag:$0x3] =	stream.indirect_vreg.gather @!p0 [hbm4b:s5+s20], $0x80, v5, vm1, $0xb8;
	[tilespmem:$0x1EA00] =	vst v63  }
0x18c: {  	s21 =	simm.s32 @!p0 $0x15200  }
0x18d: {  	[tilespmem:s21], [sflag:$0x3] =	stream.indirect_vreg.gather @!p0 [hbm4b:s6+s20], $0x80, v5, vm1, $0xb8;
	[tilespmem:$0x1EA00] =	vst v63  }
0x18e: {  	v5 =	vld.msk @!p0 [tilespmem:s22+$0xFFFFFFD8], $0xff;
	_ =	sdelay $0x4  }
0x18f: {  	v6 =	vshrl.u32 @!p0 v5, $0x3  }
0x190: {  	v6 =	vmul.u32 @!p0 $0x30, v6  }
0x191: {  	v5 =	vand.u32 @!p0 $0x7, v5  }
0x192: {  	v5 =	vor.u32 @!p0 v5, v6  }
0x193: {  	v3 =	vperm.xlane @!p0 v5, v3;
	_ =	sdelay $0x1  }
0x194: {  	v3 =	vadd.s32 @!p0 v4, v3;
	_ =	sdelay $0x3  }
0x195: {  	s21 =	simm.s32 @!p0 $0x15A00  }
0x196: {  	[tilespmem:s21], [sflag:$0x3] =	stream.indirect_vreg.gather @!p0 [hbm4b:s2+s20], $0x80, v3, vm1, $0xb8;
	[tilespmem:$0x1EA00] =	vst v63  }
0x197: {  	s21 =	simm.s32 @!p0 $0x16200  }
0x198: {  	[tilespmem:s21], [sflag:$0x3] =	stream.indirect_vreg.gather @!p0 [hbm4b:s5+s20], $0x80, v3, vm1, $0xb8;
	[tilespmem:$0x1EA00] =	vst v63  }
0x199: {  	s21 =	simm.s32 @!p0 $0x16A00  }
0x19a: {  	[tilespmem:s21], [sflag:$0x3] =	stream.indirect_vreg.gather @!p0 [hbm4b:s6+s20], $0x80, v3, vm1, $0xb8;
	[tilespmem:$0x1EA00] =	vst v63  }
0x19b: {  	_ =	swait.ge [sflag:s12], $0x7800  }
0x19c: {  	[sflag:s12] =	ssyncset.done $0x0  }
.Ltmp2:
0x19d: {  	s23 =	sadd.s32 s19, s10;
	[sflag:s12] =	ssyncadd.s32 $0xFFFF8800;
	(pc) =	sbr.rel @p0 .LBB2_4-.Ltmp2, $4  }
0x19e: {  	[hbm4b:s23+s3] =	stream.linear.scatter [tilespmem:s18], [sflag:$0x8], $0x7800, $0x38;
	[tilespmem:$0x1EA00] =	vst v63  }
0x19f: {  	_ =	swait.ge [sflag:s28], $0x7800  }
0x1a0: {  	[sflag:s28] =	ssyncset.done $0x0  }
0x1a1: {  	[sflag:s28] =	ssyncadd.s32 $0xFFFF8800  }
0x1a2: {  	v3 =	vld [tilespmem:s22+$0xFFFFFFE0];
	_ =	sdelay $0x4  }
0x1a3: {  	v4 =	vshrl.u32 v3, $0x3  }
0x1a4: {  	v4 =	vmul.u32 $0x30, v4  }
0x1a5: {  	v3 =	vand.u32 $0x7, v3  }
0x1a6: {  	v3 =	vor.u32 v3, v4  }
0x1a7: {  	v4 =	vperm.xlane v3, v0;
	_ =	sdelay $0x1  }
0x1a8: {  	v4 =	vadd.s32 v1, v4;
	_ =	sdelay $0x3  }
0x1a9: {  	v3 =	vperm.xlane v3, v2  }
0x1aa: {  	[tilespmem:s18], [sflag:$0x4] =	stream.indirect_vreg.gather [hbm4b:s2+s3], $0x80, v4, vm0, $0xb8;
	[tilespmem:$0x1EA00] =	vst v63  }
0x1ab: {  	s20 =	simm.s32 $0x17A00;
	v3 =	vadd.s32 v1, v3  }
0x1ac: {  	[tilespmem:s20], [sflag:$0x4] =	stream.indirect_vreg.gather [hbm4b:s5+s3], $0x80, v4, vm0, $0xb8;
	[tilespmem:$0x1EA00] =	vst v63  }
0x1ad: {  	s21 =	simm.s32 $0x18200  }
0x1ae: {  	[tilespmem:s21], [sflag:$0x4] =	stream.indirect_vreg.gather [hbm4b:s6+s3], $0x80, v4, vm0, $0xb8;
	[tilespmem:$0x1EA00] =	vst v63  }
0x1af: {  	s23 =	simm.s32 $0x18A00  }
0x1b0: {  	[tilespmem:s23], [sflag:$0x4] =	stream.indirect_vreg.gather [hbm4b:s2+s3], $0x80, v3, vm0, $0xb8;
	[tilespmem:$0x1EA00] =	vst v63  }
0x1b1: {  	s21 =	simm.s32 $0x19200  }
0x1b2: {  	[tilespmem:s21], [sflag:$0x4] =	stream.indirect_vreg.gather [hbm4b:s5+s3], $0x80, v3, vm0, $0xb8;
	[tilespmem:$0x1EA00] =	vst v63  }
0x1b3: {  	s23 =	simm.s32 $0x19A00  }
0x1b4: {  	[tilespmem:s23], [sflag:$0x4] =	stream.indirect_vreg.gather [hbm4b:s6+s3], $0x80, v3, vm0, $0xb8;
	[tilespmem:$0x1EA00] =	vst v63  }
0x1b5: {  	v3 =	vld [tilespmem:s22+$0xFFFFFFF0];
	_ =	sdelay $0x4  }
0x1b6: {  	v62 =	vshrl.u32 v3, $0x3  }
0x1b7: {  	v4 =	vmul.u32 $0x30, v62  }
0x1b8: {  	v3 =	vand.u32 $0x7, v3  }
0x1b9: {  	v3 =	vor.u32 v3, v4  }
0x1ba: {  	v4 =	vperm.xlane v3, v0;
	_ =	sdelay $0x1  }
0x1bb: {  	v4 =	vadd.s32 v1, v4;
	_ =	sdelay $0x3  }
0x1bc: {  	v3 =	vperm.xlane v3, v2  }
0x1bd: {  	[tilespmem:s25], [sflag:$0x4] =	stream.indirect_vreg.gather [hbm4b:s2+s3], $0x80, v4, vm0, $0xb8;
	[tilespmem:$0x1EA00] =	vst v63  }
0x1be: {  	v3 =	vadd.s32 v1, v3  }
0x1bf: {  	[tilespmem:s26], [sflag:$0x4] =	stream.indirect_vreg.gather [hbm4b:s5+s3], $0x80, v4, vm0, $0xb8;
	[tilespmem:$0x1EA00] =	vst v63  }
0x1c0: {  	_ = 	snop  }
0x1c1: {  	[tilespmem:s29], [sflag:$0x4] =	stream.indirect_vreg.gather [hbm4b:s6+s3], $0x80, v4, vm0, $0xb8;
	[tilespmem:$0x1EA00] =	vst v63  }
0x1c2: {  	_ = 	snop  }
0x1c3: {  	[tilespmem:s30], [sflag:$0x4] =	stream.indirect_vreg.gather [hbm4b:s2+s3], $0x80, v3, vm0, $0xb8;
	[tilespmem:$0x1EA00] =	vst v63  }
0x1c4: {  	_ = 	snop  }
0x1c5: {  	[tilespmem:s31], [sflag:$0x4] =	stream.indirect_vreg.gather [hbm4b:s5+s3], $0x80, v3, vm0, $0xb8;
	[tilespmem:$0x1EA00] =	vst v63  }
0x1c6: {  	_ = 	snop  }
0x1c7: {  	[tilespmem:s0], [sflag:$0x4] =	stream.indirect_vreg.gather [hbm4b:s6+s3], $0x80, v3, vm0, $0xb8;
	[tilespmem:$0x1EA00] =	vst v63  }
0x1c8: {  	v3 =	vld.msk [tilespmem:s22+$0x0], $0xff;
	_ =	sdelay $0x4  }
0x1c9: {  	v63 =	vshrl.u32 v3, $0x3  }
0x1ca: {  	v4 =	vmul.u32 $0x30, v63  }
0x1cb: {  	v3 =	vand.u32 $0x7, v3  }
0x1cc: {  	v3 =	vor.u32 v3, v4  }
0x1cd: {  	v3 =	vperm.xlane v3, v0;
	_ =	sdelay $0x1  }
0x1ce: {  	v3 =	vadd.s32 v1, v3;
	_ =	sdelay $0x4  }
0x1cf: {  	[tilespmem:s1], [sflag:$0x4] =	stream.indirect_vreg.gather [hbm4b:s2+s3], $0x80, v3, vm0, $0xb8;
	[tilespmem:$0x1EA00] =	vst v63  }
.Ltmp3:
0x1d0: {  	_ = 	snop;
	(pc) =	sbr.rel .LBB2_2-.Ltmp3, $4  }
0x1d1: {  	_ = 	snop  }
0x1d2: {  	[tilespmem:s13], [sflag:$0x4] =	stream.indirect_vreg.gather [hbm4b:s5+s3], $0x80, v3, vm0, $0xb8;
	[tilespmem:$0x1EA00] =	vst v63  }
0x1d3: {  	s19 =	sadd.s32 $0x3C00, s19;
	s22 =	sadd.s32 $0xA0, s22  }
0x1d4: {  	[tilespmem:s14], [sflag:$0x4] =	stream.indirect_vreg.gather [hbm4b:s6+s3], $0x80, v3, vm0, $0xb8;
	[tilespmem:$0x1EA00] =	vst v63  }
.LBB2_5:
0x1d5: {  	_ =	sfence.sel $0x180000  }
0x1d6: {  	[bflag:$0x0] =	sbarrier.arrive $0xFFFF  }
0x1d7: {  	_ =	strace $0x90000047  }
0x1d8: {  	s0 =	stileid.u32;
	[bflag:$0x2] =	sbarrier.arrive $0xFFFF  }
0x1d9: {  	p0 =	sne.s32 s0, $0x0;
	s0 =	rddreg [dreg:$0x3]  }
0x1da: {  	s0 =	sadd.s32 @!p0 $0x100000, s0  }
0x1db: {  	[sflag:s0] =	ssyncadd.tile.s32 @!p0 $0x1;
	_ =	shalt  }
.Lfunc_end2:
_tile_overlayer_lowered:
.L_overlay_start_2:
0x1dc: {  	(tag) =	ssettag $0x2  }
0x1dd: {  	s0 =	rddreg [dreg:$0x0];
	s2 =	stileid.u32  }
0x1de: {  	s1 =	rddreg [dreg:$0x1];
	p0 =	sne.s32 s2, $0x0  }
0x1df: {  	s3 =	rddreg [dreg:$0x2];
	[bflag:$0x3] =	sbarrier.arrive $0xFFFF;
	s2 =	simm.s32 @!p0 $0x1C09  }
0x1e0: {  	[timem:s3], [sflag:s2] =	dma.local @!p0 [hbm:s0], s1  }
0x1e1: {  	s0 =	simm.s32 @!p0 $0x9  }
0x1e2: {  	_ =	swait.ge @!p0 [sflag:s0], s1  }
0x1e3: {  	s1 =	ssub.s32 @!p0 $0x0, s1;
	[sflag:s0] =	ssyncset.done @!p0 $0x0  }
0x1e4: {  	[sflag:s0] =	ssyncadd.s32 @!p0 s1  }
0x1e5: {  	[bflag:$0x3] =	sbarrier.arrive $0xFFFF  }
0x1e6: {  	_ =	shalt  }

</sc_bundles>
